<compile_context>
chip_gen: v7x
topology: tpu7x:2x2x1
jax: 0.10.2.dev20260603
libtpu: 0.0.44.dev20260713+nightly
codegen_flags: <defaults>
</compile_context>

<pallas_src>
import jax
import jax.numpy as jnp
from jax import lax
from jax.experimental import pallas as pl
from jax.experimental.pallas import tpu as pltpu
from jax.experimental.pallas import tpu_sc as plsc

DIM = 64
SCALE = 8.0
NC, NS = 2, 16
NW = NC * NS
NBATCH = 4096
SEQ = 200
WB = NBATCH // NW
TW = 128
SPLITS = ((0, 104), (104, 96))


def _emb_body(x_hbm, tab_hbm, z2_hbm, idx_all, r0, r1, r2, r3, semg, semo):
    wid = lax.axis_index("s") * NC + lax.axis_index("c")
    b0 = wid * WB
    flat0 = b0 * SEQ
    pltpu.sync_copy(x_hbm.at[pl.ds(b0, WB)], idx_all)

    def fire_gather(bi, rbuf):
        for off, ln in SPLITS:
            pltpu.make_async_copy(
                tab_hbm.at[idx_all.at[bi, pl.ds(off, ln)]],
                rbuf.at[pl.ds(off, ln)],
                semg,
            ).start()

    def wait_gather(bi, rbuf):
        for off, ln in SPLITS:
            pltpu.make_async_copy(
                tab_hbm.at[idx_all.at[bi, pl.ds(off, ln)]],
                rbuf.at[pl.ds(off, ln)],
                semg,
            ).wait()

    def compute(rbuf):
        def per_row(r, c):
            for c4 in range(DIM // 16):
                sl = pl.ds(c4 * 16, 16)
                rbuf[r, sl] = rbuf[r, sl] * SCALE
            return c

        lax.fori_loop(0, SEQ, per_row, 0)

    def fire_out(bi, rbuf):
        pltpu.make_async_copy(
            rbuf, z2_hbm.at[pl.ds(flat0 + bi * SEQ, SEQ)], semo
        ).start()

    def wait_out(rbuf):
        pltpu.make_async_copy(
            rbuf, z2_hbm.at[pl.ds(flat0, SEQ)], semo
        ).wait()

    bufs = (r0, r1, r2, r3)
    fire_gather(0, r0)
    fire_gather(1, r1)

    def body4(i, c):
        for q in range(4):
            k = 4 * i + q
            buf = bufs[q]
            tgt = bufs[(q + 2) % 4]
            wait_gather(k, buf)
            compute(buf)
            fire_out(k, buf)

            @pl.when(k >= 2)
            def _():
                wait_out(tgt)

            @pl.when(k <= WB - 3)
            def _():
                fire_gather(k + 2, tgt)

        return c

    lax.fori_loop(0, WB // 4, body4, 0)
    wait_out(r2)
    wait_out(r3)


@jax.jit
def kernel(x, table):
    tab_p = jnp.pad(table, ((0, 0), (0, TW - DIM)))
    mesh = plsc.VectorSubcoreMesh(core_axis_name="c", subcore_axis_name="s")
    z2 = pl.kernel(
        _emb_body,
        out_type=jax.ShapeDtypeStruct((NBATCH * SEQ, TW), jnp.float32),
        mesh=mesh,
        compiler_params=pltpu.CompilerParams(
            use_tc_tiling_on_sc=False, needs_layout_passes=False
        ),
        scratch_types=[
            pltpu.VMEM((WB, SEQ), jnp.int32),
            pltpu.VMEM((SEQ, TW), jnp.float32),
            pltpu.VMEM((SEQ, TW), jnp.float32),
            pltpu.VMEM((SEQ, TW), jnp.float32),
            pltpu.VMEM((SEQ, TW), jnp.float32),
            pltpu.SemaphoreType.DMA,
            pltpu.SemaphoreType.DMA,
        ],
    )(x.astype(jnp.int32), tab_p)
    return z2[:, :DIM].reshape(NBATCH, SEQ, DIM)

# --- scband reference (transcript-rebuilt; emitter-appended) ---
"""Pipeline reference for scband-embeddings-17626545783266 (READ-ONLY COPY).

The authoritative reference and input builder live on the scoring server;
editing this copy changes nothing except your own understanding.
"""

import math
import jax, jax.numpy as jnp
import numpy as np

NUM_EMBEDDINGS = 1000000
EMBEDDING_DIM = 64
PADDING_IDX = 0


def setup_inputs(seed: int = 0) -> dict:
    key = jax.random.key(seed)
    k_idx, k_tab = jax.random.split(key)
    x = jax.random.randint(k_idx, (4096, 200), 0, NUM_EMBEDDINGS, dtype=jnp.int64 if jax.config.jax_enable_x64 else jnp.int32)
    table = jax.random.normal(k_tab, (NUM_EMBEDDINGS, EMBEDDING_DIM), dtype=jnp.float32)
    # nn.Embedding with padding_idx zeros that row at init
    table = table.at[PADDING_IDX].set(0.0)
    return {"x": x, "table": table}


def reference(x, table):
    # Embeddings.forward: self.embedding(x) * math.sqrt(self.d_model)
    emb = jnp.take(table, x, axis=0)
    return emb * math.sqrt(EMBEDDING_DIM)

if __name__ == "__main__":
    import jax
    _d = setup_inputs()
    print(jax.jit(kernel)(*tuple(_d.values())))

</pallas_src>

<mosaic_0001>
#map = affine_map<(d0, d1) -> (0, 0)>
module attributes {stable_mosaic.version = 14 : i64} {
  func.func @_emb_body(%arg0: i32, %arg1: i32, %arg2: memref<4096x200xi32, #tpu.memory_space<hbm>>, %arg3: memref<1000000x128xf32, #tpu.memory_space<hbm>>, %arg4: memref<819200x128xf32, #tpu.memory_space<hbm>>, %arg5: memref<128x200xi32, #tpu.memory_space<vmem>>, %arg6: memref<200x128xf32, #tpu.memory_space<vmem>>, %arg7: memref<200x128xf32, #tpu.memory_space<vmem>>, %arg8: memref<200x128xf32, #tpu.memory_space<vmem>>, %arg9: memref<200x128xf32, #tpu.memory_space<vmem>>, %arg10: memref<!tpu.dma_semaphore, #tpu.memory_space<semaphore_mem>>, %arg11: memref<!tpu.dma_semaphore, #tpu.memory_space<semaphore_mem>>) attributes {dimension_semantics = [#tpu.dimension_semantics<core_parallel>, #tpu.dimension_semantics<subcore_parallel>], iteration_bounds = array<i64: 2, 16>, scalar_prefetch = 0 : i64, scratch_operands = 7 : i64, tpu.core_type = #tpu.core_type<sc_vector_subcore>, window_params = [{transform_indices = #map}, {transform_indices = #map}, {transform_indices = #map}]} {
    %mul3A = arith.constant 2 : i32
    %mul3A_0 = arith.muli %arg1, %mul3A : i32
    %add3A = arith.addi %mul3A_0, %arg0 : i32
    %mul3A_1 = arith.constant 128 : i32
    %mul3A_2 = arith.muli %add3A, %mul3A_1 : i32
    %mul3A_3 = arith.constant 200 : i32
    %mul3A_4 = arith.muli %mul3A_2, %mul3A_3 : i32
    "tpu.region"() ({
      %run_scoped3A = tpu.sem_alloc : memref<!tpu.dma_semaphore, #tpu.memory_space<semaphore_mem>>
      %dma_start3A_56 = arith.constant 0 : i32
      %dma_start3A_57 = tpu.memref_slice %arg2[%mul3A_2, %dma_start3A_56] : memref<4096x200xi32, #tpu.memory_space<hbm>> -> memref<128x200xi32, #tpu.memory_space<hbm>>
      %dma_start3A_58 = arith.constant 0 : i32
      %dma_start3A_59 = tpu.memref_slice %arg2[%mul3A_2, %dma_start3A_58] : memref<4096x200xi32, #tpu.memory_space<hbm>> -> memref<128x200xi32, #tpu.memory_space<hbm>>
      tpu.enqueue_dma source(%dma_start3A_59 : memref<128x200xi32, #tpu.memory_space<hbm>>) target(%arg5 : memref<128x200xi32, #tpu.memory_space<vmem>>) target_semaphore(%run_scoped3A : memref<!tpu.dma_semaphore, #tpu.memory_space<semaphore_mem>>)
      %dma_wait3A_60 = arith.constant 0 : i32
      %dma_wait3A_61 = tpu.memref_slice %arg2[%mul3A_2, %dma_wait3A_60] : memref<4096x200xi32, #tpu.memory_space<hbm>> -> memref<128x200xi32, #tpu.memory_space<hbm>>
      %dma_wait3A_62 = arith.constant 0 : i32
      %dma_wait3A_63 = tpu.memref_slice %arg2[%mul3A_2, %dma_wait3A_62] : memref<4096x200xi32, #tpu.memory_space<hbm>> -> memref<128x200xi32, #tpu.memory_space<hbm>>
      tpu.wait_dma2 semaphore(%run_scoped3A : memref<!tpu.dma_semaphore, #tpu.memory_space<semaphore_mem>>) src(%dma_wait3A_63 : memref<128x200xi32, #tpu.memory_space<hbm>>) dst(%arg5 : memref<128x200xi32, #tpu.memory_space<vmem>>)
      tpu.yield
    }) : () -> ()
    %dma_start3A = arith.constant 0 : i32
    %dma_start3A_5 = arith.constant 0 : i32
    %dma_start3A_6 = arith.constant 0 : i32
    %dma_start3A_7 = tpu.memref_slice %arg6[%dma_start3A_5, %dma_start3A_6] : memref<200x128xf32, #tpu.memory_space<vmem>> -> memref<104x128xf32, #tpu.memory_space<vmem>>
    %dma_start3A_8 = arith.constant 0 : i32
    %dma_start3A_9 = tpu.memref_slice %arg5[%dma_start3A, %dma_start3A_8] : memref<128x200xi32, #tpu.memory_space<vmem>> -> memref<1x104xi32, #tpu.memory_space<vmem>>
    %dma_start3A_10 = tpu.memref_squeeze %dma_start3A_9 : memref<1x104xi32, #tpu.memory_space<vmem>> -> memref<104xi32, #tpu.memory_space<vmem>>
    %dma_start3A_11 = arith.constant 0 : i32
    %dma_start3A_12 = arith.constant 0 : i32
    %dma_start3A_13 = tpu.memref_slice %arg3[%dma_start3A_11, %dma_start3A_12] : memref<1000000x128xf32, #tpu.memory_space<hbm>> -> memref<1000000x128xf32, #tpu.memory_space<hbm>>
    tpu.enqueue_indirect_dma source(%dma_start3A_13 : memref<1000000x128xf32, #tpu.memory_space<hbm>>) target(%dma_start3A_7 : memref<104x128xf32, #tpu.memory_space<vmem>>) offsets(%dma_start3A_10 : memref<104xi32, #tpu.memory_space<vmem>>) semaphore(%arg10 : memref<!tpu.dma_semaphore, #tpu.memory_space<semaphore_mem>>)
    %dma_start3A_14 = arith.constant 0 : i32
    %dma_start3A_15 = arith.constant 104 : i32
    %dma_start3A_16 = arith.constant 0 : i32
    %dma_start3A_17 = tpu.memref_slice %arg6[%dma_start3A_15, %dma_start3A_16] : memref<200x128xf32, #tpu.memory_space<vmem>> -> memref<96x128xf32, #tpu.memory_space<vmem>>
    %dma_start3A_18 = arith.constant 104 : i32
    %dma_start3A_19 = tpu.memref_slice %arg5[%dma_start3A_14, %dma_start3A_18] : memref<128x200xi32, #tpu.memory_space<vmem>> -> memref<1x96xi32, #tpu.memory_space<vmem>>
    %dma_start3A_20 = tpu.memref_squeeze %dma_start3A_19 : memref<1x96xi32, #tpu.memory_space<vmem>> -> memref<96xi32, #tpu.memory_space<vmem>>
    %dma_start3A_21 = arith.constant 0 : i32
    %dma_start3A_22 = arith.constant 0 : i32
    %dma_start3A_23 = tpu.memref_slice %arg3[%dma_start3A_21, %dma_start3A_22] : memref<1000000x128xf32, #tpu.memory_space<hbm>> -> memref<1000000x128xf32, #tpu.memory_space<hbm>>
    tpu.enqueue_indirect_dma source(%dma_start3A_23 : memref<1000000x128xf32, #tpu.memory_space<hbm>>) target(%dma_start3A_17 : memref<96x128xf32, #tpu.memory_space<vmem>>) offsets(%dma_start3A_20 : memref<96xi32, #tpu.memory_space<vmem>>) semaphore(%arg10 : memref<!tpu.dma_semaphore, #tpu.memory_space<semaphore_mem>>)
    %dma_start3A_24 = arith.constant 1 : i32
    %dma_start3A_25 = arith.constant 0 : i32
    %dma_start3A_26 = arith.constant 0 : i32
    %dma_start3A_27 = tpu.memref_slice %arg7[%dma_start3A_25, %dma_start3A_26] : memref<200x128xf32, #tpu.memory_space<vmem>> -> memref<104x128xf32, #tpu.memory_space<vmem>>
    %dma_start3A_28 = arith.constant 0 : i32
    %dma_start3A_29 = tpu.memref_slice %arg5[%dma_start3A_24, %dma_start3A_28] : memref<128x200xi32, #tpu.memory_space<vmem>> -> memref<1x104xi32, #tpu.memory_space<vmem>>
    %dma_start3A_30 = tpu.memref_squeeze %dma_start3A_29 : memref<1x104xi32, #tpu.memory_space<vmem>> -> memref<104xi32, #tpu.memory_space<vmem>>
    %dma_start3A_31 = arith.constant 0 : i32
    %dma_start3A_32 = arith.constant 0 : i32
    %dma_start3A_33 = tpu.memref_slice %arg3[%dma_start3A_31, %dma_start3A_32] : memref<1000000x128xf32, #tpu.memory_space<hbm>> -> memref<1000000x128xf32, #tpu.memory_space<hbm>>
    tpu.enqueue_indirect_dma source(%dma_start3A_33 : memref<1000000x128xf32, #tpu.memory_space<hbm>>) target(%dma_start3A_27 : memref<104x128xf32, #tpu.memory_space<vmem>>) offsets(%dma_start3A_30 : memref<104xi32, #tpu.memory_space<vmem>>) semaphore(%arg10 : memref<!tpu.dma_semaphore, #tpu.memory_space<semaphore_mem>>)
    %dma_start3A_34 = arith.constant 1 : i32
    %dma_start3A_35 = arith.constant 104 : i32
    %dma_start3A_36 = arith.constant 0 : i32
    %dma_start3A_37 = tpu.memref_slice %arg7[%dma_start3A_35, %dma_start3A_36] : memref<200x128xf32, #tpu.memory_space<vmem>> -> memref<96x128xf32, #tpu.memory_space<vmem>>
    %dma_start3A_38 = arith.constant 104 : i32
    %dma_start3A_39 = tpu.memref_slice %arg5[%dma_start3A_34, %dma_start3A_38] : memref<128x200xi32, #tpu.memory_space<vmem>> -> memref<1x96xi32, #tpu.memory_space<vmem>>
    %dma_start3A_40 = tpu.memref_squeeze %dma_start3A_39 : memref<1x96xi32, #tpu.memory_space<vmem>> -> memref<96xi32, #tpu.memory_space<vmem>>
    %dma_start3A_41 = arith.constant 0 : i32
    %dma_start3A_42 = arith.constant 0 : i32
    %dma_start3A_43 = tpu.memref_slice %arg3[%dma_start3A_41, %dma_start3A_42] : memref<1000000x128xf32, #tpu.memory_space<hbm>> -> memref<1000000x128xf32, #tpu.memory_space<hbm>>
    tpu.enqueue_indirect_dma source(%dma_start3A_43 : memref<1000000x128xf32, #tpu.memory_space<hbm>>) target(%dma_start3A_37 : memref<96x128xf32, #tpu.memory_space<vmem>>) offsets(%dma_start3A_40 : memref<96xi32, #tpu.memory_space<vmem>>) semaphore(%arg10 : memref<!tpu.dma_semaphore, #tpu.memory_space<semaphore_mem>>)
    %scan3A = arith.constant 0 : i32
    %scan3A_44 = arith.constant 0 : i32
    %scan3A_45 = arith.constant 32 : i32
    %scan3A_46 = arith.addi %scan3A_44, %scan3A_45 : i32
    %scan3A_47 = arith.constant 1 : i32
    scf.for %scan3A_56 = %scan3A_44 to %scan3A_46 step %scan3A_47  : i32 {
      %mul3A_57 = arith.constant 4 : i32
      %mul3A_58 = arith.muli %mul3A_57, %scan3A_56 : i32
      %add3A_59 = arith.constant 0 : i32
      %add3A_60 = arith.addi %mul3A_58, %add3A_59 : i32
      %dma_wait3A_61 = arith.constant 0 : i32
      %dma_wait3A_62 = arith.constant 0 : i32
      %dma_wait3A_63 = tpu.memref_slice %arg6[%dma_wait3A_61, %dma_wait3A_62] : memref<200x128xf32, #tpu.memory_space<vmem>> -> memref<104x128xf32, #tpu.memory_space<vmem>>
      %dma_wait3A_64 = arith.constant 0 : i32
      %dma_wait3A_65 = tpu.memref_slice %arg5[%add3A_60, %dma_wait3A_64] : memref<128x200xi32, #tpu.memory_space<vmem>> -> memref<1x104xi32, #tpu.memory_space<vmem>>
      %dma_wait3A_66 = tpu.memref_squeeze %dma_wait3A_65 : memref<1x104xi32, #tpu.memory_space<vmem>> -> memref<104xi32, #tpu.memory_space<vmem>>
      %dma_wait3A_67 = arith.constant 0 : i32
      %dma_wait3A_68 = arith.constant 0 : i32
      %dma_wait3A_69 = tpu.memref_slice %arg3[%dma_wait3A_67, %dma_wait3A_68] : memref<1000000x128xf32, #tpu.memory_space<hbm>> -> memref<1000000x128xf32, #tpu.memory_space<hbm>>
      tpu.wait_indirect_dma semaphore(%arg10 : memref<!tpu.dma_semaphore, #tpu.memory_space<semaphore_mem>>) src(%dma_wait3A_69 : memref<1000000x128xf32, #tpu.memory_space<hbm>>) dst(%dma_wait3A_63 : memref<104x128xf32, #tpu.memory_space<vmem>>)
      %dma_wait3A_70 = arith.constant 104 : i32
      %dma_wait3A_71 = arith.constant 0 : i32
      %dma_wait3A_72 = tpu.memref_slice %arg6[%dma_wait3A_70, %dma_wait3A_71] : memref<200x128xf32, #tpu.memory_space<vmem>> -> memref<96x128xf32, #tpu.memory_space<vmem>>
      %dma_wait3A_73 = arith.constant 104 : i32
      %dma_wait3A_74 = tpu.memref_slice %arg5[%add3A_60, %dma_wait3A_73] : memref<128x200xi32, #tpu.memory_space<vmem>> -> memref<1x96xi32, #tpu.memory_space<vmem>>
      %dma_wait3A_75 = tpu.memref_squeeze %dma_wait3A_74 : memref<1x96xi32, #tpu.memory_space<vmem>> -> memref<96xi32, #tpu.memory_space<vmem>>
      %dma_wait3A_76 = arith.constant 0 : i32
      %dma_wait3A_77 = arith.constant 0 : i32
      %dma_wait3A_78 = tpu.memref_slice %arg3[%dma_wait3A_76, %dma_wait3A_77] : memref<1000000x128xf32, #tpu.memory_space<hbm>> -> memref<1000000x128xf32, #tpu.memory_space<hbm>>
      tpu.wait_indirect_dma semaphore(%arg10 : memref<!tpu.dma_semaphore, #tpu.memory_space<semaphore_mem>>) src(%dma_wait3A_78 : memref<1000000x128xf32, #tpu.memory_space<hbm>>) dst(%dma_wait3A_72 : memref<96x128xf32, #tpu.memory_space<vmem>>)
      %scan3A_79 = arith.constant 0 : i32
      %scan3A_80 = arith.constant 0 : i32
      %scan3A_81 = arith.constant 200 : i32
      %scan3A_82 = arith.addi %scan3A_80, %scan3A_81 : i32
      %scan3A_83 = arith.constant 1 : i32
      scf.for %scan3A_233 = %scan3A_80 to %scan3A_82 step %scan3A_83  : i32 {
        %get3A = arith.index_cast %scan3A_233 : i32 to index
        %get3A_234 = arith.constant 0 : index
        %get3A_235 = tpu.vector_load %arg6[%get3A, %get3A_234] {strides = array<i32>} : memref<200x128xf32, #tpu.memory_space<vmem>>, vector<16xf32>,
        %mul3A_236 = arith.constant 8.000000e+00 : f32
        %mul3A_237 = vector.broadcast %mul3A_236 : f32 to vector<16xf32>
        %mul3A_238 = arith.mulf %get3A_235, %mul3A_237 : vector<16xf32>
        %swap3A = arith.index_cast %scan3A_233 : i32 to index
        %swap3A_239 = arith.constant 0 : index
        %swap3A_240 = tpu.vector_load %arg6[%swap3A, %swap3A_239] {strides = array<i32>} : memref<200x128xf32, #tpu.memory_space<vmem>>, vector<16xf32>,
        tpu.vector_store %arg6[%swap3A, %swap3A_239], %mul3A_238 {strides = array<i32>} : memref<200x128xf32, #tpu.memory_space<vmem>>, vector<16xf32>,
        %get3A_241 = arith.index_cast %scan3A_233 : i32 to index
        %get3A_242 = arith.constant 16 : index
        %get3A_243 = tpu.vector_load %arg6[%get3A_241, %get3A_242] {strides = array<i32>} : memref<200x128xf32, #tpu.memory_space<vmem>>, vector<16xf32>,
        %mul3A_244 = arith.constant 8.000000e+00 : f32
        %mul3A_245 = vector.broadcast %mul3A_244 : f32 to vector<16xf32>
        %mul3A_246 = arith.mulf %get3A_243, %mul3A_245 : vector<16xf32>
        %swap3A_247 = arith.index_cast %scan3A_233 : i32 to index
        %swap3A_248 = arith.constant 16 : index
        %swap3A_249 = tpu.vector_load %arg6[%swap3A_247, %swap3A_248] {strides = array<i32>} : memref<200x128xf32, #tpu.memory_space<vmem>>, vector<16xf32>,
        tpu.vector_store %arg6[%swap3A_247, %swap3A_248], %mul3A_246 {strides = array<i32>} : memref<200x128xf32, #tpu.memory_space<vmem>>, vector<16xf32>,
        %get3A_250 = arith.index_cast %scan3A_233 : i32 to index
        %get3A_251 = arith.constant 32 : index
        %get3A_252 = tpu.vector_load %arg6[%get3A_250, %get3A_251] {strides = array<i32>} : memref<200x128xf32, #tpu.memory_space<vmem>>, vector<16xf32>,
        %mul3A_253 = arith.constant 8.000000e+00 : f32
        %mul3A_254 = vector.broadcast %mul3A_253 : f32 to vector<16xf32>
        %mul3A_255 = arith.mulf %get3A_252, %mul3A_254 : vector<16xf32>
        %swap3A_256 = arith.index_cast %scan3A_233 : i32 to index
        %swap3A_257 = arith.constant 32 : index
        %swap3A_258 = tpu.vector_load %arg6[%swap3A_256, %swap3A_257] {strides = array<i32>} : memref<200x128xf32, #tpu.memory_space<vmem>>, vector<16xf32>,
        tpu.vector_store %arg6[%swap3A_256, %swap3A_257], %mul3A_255 {strides = array<i32>} : memref<200x128xf32, #tpu.memory_space<vmem>>, vector<16xf32>,
        %get3A_259 = arith.index_cast %scan3A_233 : i32 to index
        %get3A_260 = arith.constant 48 : index
        %get3A_261 = tpu.vector_load %arg6[%get3A_259, %get3A_260] {strides = array<i32>} : memref<200x128xf32, #tpu.memory_space<vmem>>, vector<16xf32>,
        %mul3A_262 = arith.constant 8.000000e+00 : f32
        %mul3A_263 = vector.broadcast %mul3A_262 : f32 to vector<16xf32>
        %mul3A_264 = arith.mulf %get3A_261, %mul3A_263 : vector<16xf32>
        %swap3A_265 = arith.index_cast %scan3A_233 : i32 to index
        %swap3A_266 = arith.constant 48 : index
        %swap3A_267 = tpu.vector_load %arg6[%swap3A_265, %swap3A_266] {strides = array<i32>} : memref<200x128xf32, #tpu.memory_space<vmem>>, vector<16xf32>,
        tpu.vector_store %arg6[%swap3A_265, %swap3A_266], %mul3A_264 {strides = array<i32>} : memref<200x128xf32, #tpu.memory_space<vmem>>, vector<16xf32>,
      }
      %scan3A_84 = arith.constant 200 : i32
      %mul3A_85 = arith.constant 200 : i32
      %mul3A_86 = arith.muli %add3A_60, %mul3A_85 : i32
      %add3A_87 = arith.addi %mul3A_4, %mul3A_86 : i32
      %dma_start3A_88 = arith.constant 0 : i32
      %dma_start3A_89 = tpu.memref_slice %arg4[%add3A_87, %dma_start3A_88] : memref<819200x128xf32, #tpu.memory_space<hbm>> -> memref<200x128xf32, #tpu.memory_space<hbm>>
      %dma_start3A_90 = arith.constant 0 : i32
      %dma_start3A_91 = tpu.memref_slice %arg4[%add3A_87, %dma_start3A_90] : memref<819200x128xf32, #tpu.memory_space<hbm>> -> memref<200x128xf32, #tpu.memory_space<hbm>>
      tpu.enqueue_dma source(%arg6 : memref<200x128xf32, #tpu.memory_space<vmem>>) target(%dma_start3A_91 : memref<200x128xf32, #tpu.memory_space<hbm>>) target_semaphore(%arg11 : memref<!tpu.dma_semaphore, #tpu.memory_space<semaphore_mem>>)
      %ge3A = arith.constant 2 : i32
      %ge3A_92 = arith.cmpi sge, %add3A_60, %ge3A : i32
      %convert_element_type3A = arith.extui %ge3A_92 : i1 to i32
      %cond3A = arith.constant 0 : i32
      %cond3A_93 = arith.cmpi ne, %convert_element_type3A, %cond3A : i32
      scf.if %cond3A_93 {
        %dma_wait3A_233 = arith.constant 0 : i32
        %dma_wait3A_234 = tpu.memref_slice %arg4[%mul3A_4, %dma_wait3A_233] : memref<819200x128xf32, #tpu.memory_space<hbm>> -> memref<200x128xf32, #tpu.memory_space<hbm>>
        %dma_wait3A_235 = arith.constant 0 : i32
        %dma_wait3A_236 = tpu.memref_slice %arg4[%mul3A_4, %dma_wait3A_235] : memref<819200x128xf32, #tpu.memory_space<hbm>> -> memref<200x128xf32, #tpu.memory_space<hbm>>
        tpu.wait_dma2 semaphore(%arg11 : memref<!tpu.dma_semaphore, #tpu.memory_space<semaphore_mem>>) src(%arg8 : memref<200x128xf32, #tpu.memory_space<vmem>>) dst(%dma_wait3A_236 : memref<200x128xf32, #tpu.memory_space<hbm>>)
      } else {
      }
      %le3A = arith.constant 125 : i32
      %le3A_94 = arith.cmpi sle, %add3A_60, %le3A : i32
      %convert_element_type3A_95 = arith.extui %le3A_94 : i1 to i32
      %cond3A_96 = arith.constant 0 : i32
      %cond3A_97 = arith.cmpi ne, %convert_element_type3A_95, %cond3A_96 : i32
      scf.if %cond3A_97 {
        %add3A_233 = arith.constant 2 : i32
        %add3A_234 = arith.addi %add3A_60, %add3A_233 : i32
        %dma_start3A_235 = arith.constant 0 : i32
        %dma_start3A_236 = arith.constant 0 : i32
        %dma_start3A_237 = tpu.memref_slice %arg8[%dma_start3A_235, %dma_start3A_236] : memref<200x128xf32, #tpu.memory_space<vmem>> -> memref<104x128xf32, #tpu.memory_space<vmem>>
        %dma_start3A_238 = arith.constant 0 : i32
        %dma_start3A_239 = tpu.memref_slice %arg5[%add3A_234, %dma_start3A_238] : memref<128x200xi32, #tpu.memory_space<vmem>> -> memref<1x104xi32, #tpu.memory_space<vmem>>
        %dma_start3A_240 = tpu.memref_squeeze %dma_start3A_239 : memref<1x104xi32, #tpu.memory_space<vmem>> -> memref<104xi32, #tpu.memory_space<vmem>>
        %dma_start3A_241 = arith.constant 0 : i32
        %dma_start3A_242 = arith.constant 0 : i32
        %dma_start3A_243 = tpu.memref_slice %arg3[%dma_start3A_241, %dma_start3A_242] : memref<1000000x128xf32, #tpu.memory_space<hbm>> -> memref<1000000x128xf32, #tpu.memory_space<hbm>>
        tpu.enqueue_indirect_dma source(%dma_start3A_243 : memref<1000000x128xf32, #tpu.memory_space<hbm>>) target(%dma_start3A_237 : memref<104x128xf32, #tpu.memory_space<vmem>>) offsets(%dma_start3A_240 : memref<104xi32, #tpu.memory_space<vmem>>) semaphore(%arg10 : memref<!tpu.dma_semaphore, #tpu.memory_space<semaphore_mem>>)
        %dma_start3A_244 = arith.constant 104 : i32
        %dma_start3A_245 = arith.constant 0 : i32
        %dma_start3A_246 = tpu.memref_slice %arg8[%dma_start3A_244, %dma_start3A_245] : memref<200x128xf32, #tpu.memory_space<vmem>> -> memref<96x128xf32, #tpu.memory_space<vmem>>
        %dma_start3A_247 = arith.constant 104 : i32
        %dma_start3A_248 = tpu.memref_slice %arg5[%add3A_234, %dma_start3A_247] : memref<128x200xi32, #tpu.memory_space<vmem>> -> memref<1x96xi32, #tpu.memory_space<vmem>>
        %dma_start3A_249 = tpu.memref_squeeze %dma_start3A_248 : memref<1x96xi32, #tpu.memory_space<vmem>> -> memref<96xi32, #tpu.memory_space<vmem>>
        %dma_start3A_250 = arith.constant 0 : i32
        %dma_start3A_251 = arith.constant 0 : i32
        %dma_start3A_252 = tpu.memref_slice %arg3[%dma_start3A_250, %dma_start3A_251] : memref<1000000x128xf32, #tpu.memory_space<hbm>> -> memref<1000000x128xf32, #tpu.memory_space<hbm>>
        tpu.enqueue_indirect_dma source(%dma_start3A_252 : memref<1000000x128xf32, #tpu.memory_space<hbm>>) target(%dma_start3A_246 : memref<96x128xf32, #tpu.memory_space<vmem>>) offsets(%dma_start3A_249 : memref<96xi32, #tpu.memory_space<vmem>>) semaphore(%arg10 : memref<!tpu.dma_semaphore, #tpu.memory_space<semaphore_mem>>)
      } else {
      }
      %mul3A_98 = arith.constant 4 : i32
      %mul3A_99 = arith.muli %mul3A_98, %scan3A_56 : i32
      %add3A_100 = arith.constant 1 : i32
      %add3A_101 = arith.addi %mul3A_99, %add3A_100 : i32
      %dma_wait3A_102 = arith.constant 0 : i32
      %dma_wait3A_103 = arith.constant 0 : i32
      %dma_wait3A_104 = tpu.memref_slice %arg7[%dma_wait3A_102, %dma_wait3A_103] : memref<200x128xf32, #tpu.memory_space<vmem>> -> memref<104x128xf32, #tpu.memory_space<vmem>>
      %dma_wait3A_105 = arith.constant 0 : i32
      %dma_wait3A_106 = tpu.memref_slice %arg5[%add3A_101, %dma_wait3A_105] : memref<128x200xi32, #tpu.memory_space<vmem>> -> memref<1x104xi32, #tpu.memory_space<vmem>>
      %dma_wait3A_107 = tpu.memref_squeeze %dma_wait3A_106 : memref<1x104xi32, #tpu.memory_space<vmem>> -> memref<104xi32, #tpu.memory_space<vmem>>
      %dma_wait3A_108 = arith.constant 0 : i32
      %dma_wait3A_109 = arith.constant 0 : i32
      %dma_wait3A_110 = tpu.memref_slice %arg3[%dma_wait3A_108, %dma_wait3A_109] : memref<1000000x128xf32, #tpu.memory_space<hbm>> -> memref<1000000x128xf32, #tpu.memory_space<hbm>>
      tpu.wait_indirect_dma semaphore(%arg10 : memref<!tpu.dma_semaphore, #tpu.memory_space<semaphore_mem>>) src(%dma_wait3A_110 : memref<1000000x128xf32, #tpu.memory_space<hbm>>) dst(%dma_wait3A_104 : memref<104x128xf32, #tpu.memory_space<vmem>>)
      %dma_wait3A_111 = arith.constant 104 : i32
      %dma_wait3A_112 = arith.constant 0 : i32
      %dma_wait3A_113 = tpu.memref_slice %arg7[%dma_wait3A_111, %dma_wait3A_112] : memref<200x128xf32, #tpu.memory_space<vmem>> -> memref<96x128xf32, #tpu.memory_space<vmem>>
      %dma_wait3A_114 = arith.constant 104 : i32
      %dma_wait3A_115 = tpu.memref_slice %arg5[%add3A_101, %dma_wait3A_114] : memref<128x200xi32, #tpu.memory_space<vmem>> -> memref<1x96xi32, #tpu.memory_space<vmem>>
      %dma_wait3A_116 = tpu.memref_squeeze %dma_wait3A_115 : memref<1x96xi32, #tpu.memory_space<vmem>> -> memref<96xi32, #tpu.memory_space<vmem>>
      %dma_wait3A_117 = arith.constant 0 : i32
      %dma_wait3A_118 = arith.constant 0 : i32
      %dma_wait3A_119 = tpu.memref_slice %arg3[%dma_wait3A_117, %dma_wait3A_118] : memref<1000000x128xf32, #tpu.memory_space<hbm>> -> memref<1000000x128xf32, #tpu.memory_space<hbm>>
      tpu.wait_indirect_dma semaphore(%arg10 : memref<!tpu.dma_semaphore, #tpu.memory_space<semaphore_mem>>) src(%dma_wait3A_119 : memref<1000000x128xf32, #tpu.memory_space<hbm>>) dst(%dma_wait3A_113 : memref<96x128xf32, #tpu.memory_space<vmem>>)
      %scan3A_120 = arith.constant 0 : i32
      %scan3A_121 = arith.constant 0 : i32
      %scan3A_122 = arith.constant 200 : i32
      %scan3A_123 = arith.addi %scan3A_121, %scan3A_122 : i32
      %scan3A_124 = arith.constant 1 : i32
      scf.for %scan3A_233 = %scan3A_121 to %scan3A_123 step %scan3A_124  : i32 {
        %get3A = arith.index_cast %scan3A_233 : i32 to index
        %get3A_234 = arith.constant 0 : index
        %get3A_235 = tpu.vector_load %arg7[%get3A, %get3A_234] {strides = array<i32>} : memref<200x128xf32, #tpu.memory_space<vmem>>, vector<16xf32>,
        %mul3A_236 = arith.constant 8.000000e+00 : f32
        %mul3A_237 = vector.broadcast %mul3A_236 : f32 to vector<16xf32>
        %mul3A_238 = arith.mulf %get3A_235, %mul3A_237 : vector<16xf32>
        %swap3A = arith.index_cast %scan3A_233 : i32 to index
        %swap3A_239 = arith.constant 0 : index
        %swap3A_240 = tpu.vector_load %arg7[%swap3A, %swap3A_239] {strides = array<i32>} : memref<200x128xf32, #tpu.memory_space<vmem>>, vector<16xf32>,
        tpu.vector_store %arg7[%swap3A, %swap3A_239], %mul3A_238 {strides = array<i32>} : memref<200x128xf32, #tpu.memory_space<vmem>>, vector<16xf32>,
        %get3A_241 = arith.index_cast %scan3A_233 : i32 to index
        %get3A_242 = arith.constant 16 : index
        %get3A_243 = tpu.vector_load %arg7[%get3A_241, %get3A_242] {strides = array<i32>} : memref<200x128xf32, #tpu.memory_space<vmem>>, vector<16xf32>,
        %mul3A_244 = arith.constant 8.000000e+00 : f32
        %mul3A_245 = vector.broadcast %mul3A_244 : f32 to vector<16xf32>
        %mul3A_246 = arith.mulf %get3A_243, %mul3A_245 : vector<16xf32>
        %swap3A_247 = arith.index_cast %scan3A_233 : i32 to index
        %swap3A_248 = arith.constant 16 : index
        %swap3A_249 = tpu.vector_load %arg7[%swap3A_247, %swap3A_248] {strides = array<i32>} : memref<200x128xf32, #tpu.memory_space<vmem>>, vector<16xf32>,
        tpu.vector_store %arg7[%swap3A_247, %swap3A_248], %mul3A_246 {strides = array<i32>} : memref<200x128xf32, #tpu.memory_space<vmem>>, vector<16xf32>,
        %get3A_250 = arith.index_cast %scan3A_233 : i32 to index
        %get3A_251 = arith.constant 32 : index
        %get3A_252 = tpu.vector_load %arg7[%get3A_250, %get3A_251] {strides = array<i32>} : memref<200x128xf32, #tpu.memory_space<vmem>>, vector<16xf32>,
        %mul3A_253 = arith.constant 8.000000e+00 : f32
        %mul3A_254 = vector.broadcast %mul3A_253 : f32 to vector<16xf32>
        %mul3A_255 = arith.mulf %get3A_252, %mul3A_254 : vector<16xf32>
        %swap3A_256 = arith.index_cast %scan3A_233 : i32 to index
        %swap3A_257 = arith.constant 32 : index
        %swap3A_258 = tpu.vector_load %arg7[%swap3A_256, %swap3A_257] {strides = array<i32>} : memref<200x128xf32, #tpu.memory_space<vmem>>, vector<16xf32>,
        tpu.vector_store %arg7[%swap3A_256, %swap3A_257], %mul3A_255 {strides = array<i32>} : memref<200x128xf32, #tpu.memory_space<vmem>>, vector<16xf32>,
        %get3A_259 = arith.index_cast %scan3A_233 : i32 to index
        %get3A_260 = arith.constant 48 : index
        %get3A_261 = tpu.vector_load %arg7[%get3A_259, %get3A_260] {strides = array<i32>} : memref<200x128xf32, #tpu.memory_space<vmem>>, vector<16xf32>,
        %mul3A_262 = arith.constant 8.000000e+00 : f32
        %mul3A_263 = vector.broadcast %mul3A_262 : f32 to vector<16xf32>
        %mul3A_264 = arith.mulf %get3A_261, %mul3A_263 : vector<16xf32>
        %swap3A_265 = arith.index_cast %scan3A_233 : i32 to index
        %swap3A_266 = arith.constant 48 : index
        %swap3A_267 = tpu.vector_load %arg7[%swap3A_265, %swap3A_266] {strides = array<i32>} : memref<200x128xf32, #tpu.memory_space<vmem>>, vector<16xf32>,
        tpu.vector_store %arg7[%swap3A_265, %swap3A_266], %mul3A_264 {strides = array<i32>} : memref<200x128xf32, #tpu.memory_space<vmem>>, vector<16xf32>,
      }
      %scan3A_125 = arith.constant 200 : i32
      %mul3A_126 = arith.constant 200 : i32
      %mul3A_127 = arith.muli %add3A_101, %mul3A_126 : i32
      %add3A_128 = arith.addi %mul3A_4, %mul3A_127 : i32
      %dma_start3A_129 = arith.constant 0 : i32
      %dma_start3A_130 = tpu.memref_slice %arg4[%add3A_128, %dma_start3A_129] : memref<819200x128xf32, #tpu.memory_space<hbm>> -> memref<200x128xf32, #tpu.memory_space<hbm>>
      %dma_start3A_131 = arith.constant 0 : i32
      %dma_start3A_132 = tpu.memref_slice %arg4[%add3A_128, %dma_start3A_131] : memref<819200x128xf32, #tpu.memory_space<hbm>> -> memref<200x128xf32, #tpu.memory_space<hbm>>
      tpu.enqueue_dma source(%arg7 : memref<200x128xf32, #tpu.memory_space<vmem>>) target(%dma_start3A_132 : memref<200x128xf32, #tpu.memory_space<hbm>>) target_semaphore(%arg11 : memref<!tpu.dma_semaphore, #tpu.memory_space<semaphore_mem>>)
      %ge3A_133 = arith.constant 2 : i32
      %ge3A_134 = arith.cmpi sge, %add3A_101, %ge3A_133 : i32
      %convert_element_type3A_135 = arith.extui %ge3A_134 : i1 to i32
      %cond3A_136 = arith.constant 0 : i32
      %cond3A_137 = arith.cmpi ne, %convert_element_type3A_135, %cond3A_136 : i32
      scf.if %cond3A_137 {
        %dma_wait3A_233 = arith.constant 0 : i32
        %dma_wait3A_234 = tpu.memref_slice %arg4[%mul3A_4, %dma_wait3A_233] : memref<819200x128xf32, #tpu.memory_space<hbm>> -> memref<200x128xf32, #tpu.memory_space<hbm>>
        %dma_wait3A_235 = arith.constant 0 : i32
        %dma_wait3A_236 = tpu.memref_slice %arg4[%mul3A_4, %dma_wait3A_235] : memref<819200x128xf32, #tpu.memory_space<hbm>> -> memref<200x128xf32, #tpu.memory_space<hbm>>
        tpu.wait_dma2 semaphore(%arg11 : memref<!tpu.dma_semaphore, #tpu.memory_space<semaphore_mem>>) src(%arg9 : memref<200x128xf32, #tpu.memory_space<vmem>>) dst(%dma_wait3A_236 : memref<200x128xf32, #tpu.memory_space<hbm>>)
      } else {
      }
      %le3A_138 = arith.constant 125 : i32
      %le3A_139 = arith.cmpi sle, %add3A_101, %le3A_138 : i32
      %convert_element_type3A_140 = arith.extui %le3A_139 : i1 to i32
      %cond3A_141 = arith.constant 0 : i32
      %cond3A_142 = arith.cmpi ne, %convert_element_type3A_140, %cond3A_141 : i32
      scf.if %cond3A_142 {
        %add3A_233 = arith.constant 2 : i32
        %add3A_234 = arith.addi %add3A_101, %add3A_233 : i32
        %dma_start3A_235 = arith.constant 0 : i32
        %dma_start3A_236 = arith.constant 0 : i32
        %dma_start3A_237 = tpu.memref_slice %arg9[%dma_start3A_235, %dma_start3A_236] : memref<200x128xf32, #tpu.memory_space<vmem>> -> memref<104x128xf32, #tpu.memory_space<vmem>>
        %dma_start3A_238 = arith.constant 0 : i32
        %dma_start3A_239 = tpu.memref_slice %arg5[%add3A_234, %dma_start3A_238] : memref<128x200xi32, #tpu.memory_space<vmem>> -> memref<1x104xi32, #tpu.memory_space<vmem>>
        %dma_start3A_240 = tpu.memref_squeeze %dma_start3A_239 : memref<1x104xi32, #tpu.memory_space<vmem>> -> memref<104xi32, #tpu.memory_space<vmem>>
        %dma_start3A_241 = arith.constant 0 : i32
        %dma_start3A_242 = arith.constant 0 : i32
        %dma_start3A_243 = tpu.memref_slice %arg3[%dma_start3A_241, %dma_start3A_242] : memref<1000000x128xf32, #tpu.memory_space<hbm>> -> memref<1000000x128xf32, #tpu.memory_space<hbm>>
        tpu.enqueue_indirect_dma source(%dma_start3A_243 : memref<1000000x128xf32, #tpu.memory_space<hbm>>) target(%dma_start3A_237 : memref<104x128xf32, #tpu.memory_space<vmem>>) offsets(%dma_start3A_240 : memref<104xi32, #tpu.memory_space<vmem>>) semaphore(%arg10 : memref<!tpu.dma_semaphore, #tpu.memory_space<semaphore_mem>>)
        %dma_start3A_244 = arith.constant 104 : i32
        %dma_start3A_245 = arith.constant 0 : i32
        %dma_start3A_246 = tpu.memref_slice %arg9[%dma_start3A_244, %dma_start3A_245] : memref<200x128xf32, #tpu.memory_space<vmem>> -> memref<96x128xf32, #tpu.memory_space<vmem>>
        %dma_start3A_247 = arith.constant 104 : i32
        %dma_start3A_248 = tpu.memref_slice %arg5[%add3A_234, %dma_start3A_247] : memref<128x200xi32, #tpu.memory_space<vmem>> -> memref<1x96xi32, #tpu.memory_space<vmem>>
        %dma_start3A_249 = tpu.memref_squeeze %dma_start3A_248 : memref<1x96xi32, #tpu.memory_space<vmem>> -> memref<96xi32, #tpu.memory_space<vmem>>
        %dma_start3A_250 = arith.constant 0 : i32
        %dma_start3A_251 = arith.constant 0 : i32
        %dma_start3A_252 = tpu.memref_slice %arg3[%dma_start3A_250, %dma_start3A_251] : memref<1000000x128xf32, #tpu.memory_space<hbm>> -> memref<1000000x128xf32, #tpu.memory_space<hbm>>
        tpu.enqueue_indirect_dma source(%dma_start3A_252 : memref<1000000x128xf32, #tpu.memory_space<hbm>>) target(%dma_start3A_246 : memref<96x128xf32, #tpu.memory_space<vmem>>) offsets(%dma_start3A_249 : memref<96xi32, #tpu.memory_space<vmem>>) semaphore(%arg10 : memref<!tpu.dma_semaphore, #tpu.memory_space<semaphore_mem>>)
      } else {
      }
      %mul3A_143 = arith.constant 4 : i32
      %mul3A_144 = arith.muli %mul3A_143, %scan3A_56 : i32
      %add3A_145 = arith.constant 2 : i32
      %add3A_146 = arith.addi %mul3A_144, %add3A_145 : i32
      %dma_wait3A_147 = arith.constant 0 : i32
      %dma_wait3A_148 = arith.constant 0 : i32
      %dma_wait3A_149 = tpu.memref_slice %arg8[%dma_wait3A_147, %dma_wait3A_148] : memref<200x128xf32, #tpu.memory_space<vmem>> -> memref<104x128xf32, #tpu.memory_space<vmem>>
      %dma_wait3A_150 = arith.constant 0 : i32
      %dma_wait3A_151 = tpu.memref_slice %arg5[%add3A_146, %dma_wait3A_150] : memref<128x200xi32, #tpu.memory_space<vmem>> -> memref<1x104xi32, #tpu.memory_space<vmem>>
      %dma_wait3A_152 = tpu.memref_squeeze %dma_wait3A_151 : memref<1x104xi32, #tpu.memory_space<vmem>> -> memref<104xi32, #tpu.memory_space<vmem>>
      %dma_wait3A_153 = arith.constant 0 : i32
      %dma_wait3A_154 = arith.constant 0 : i32
      %dma_wait3A_155 = tpu.memref_slice %arg3[%dma_wait3A_153, %dma_wait3A_154] : memref<1000000x128xf32, #tpu.memory_space<hbm>> -> memref<1000000x128xf32, #tpu.memory_space<hbm>>
      tpu.wait_indirect_dma semaphore(%arg10 : memref<!tpu.dma_semaphore, #tpu.memory_space<semaphore_mem>>) src(%dma_wait3A_155 : memref<1000000x128xf32, #tpu.memory_space<hbm>>) dst(%dma_wait3A_149 : memref<104x128xf32, #tpu.memory_space<vmem>>)
      %dma_wait3A_156 = arith.constant 104 : i32
      %dma_wait3A_157 = arith.constant 0 : i32
      %dma_wait3A_158 = tpu.memref_slice %arg8[%dma_wait3A_156, %dma_wait3A_157] : memref<200x128xf32, #tpu.memory_space<vmem>> -> memref<96x128xf32, #tpu.memory_space<vmem>>
      %dma_wait3A_159 = arith.constant 104 : i32
      %dma_wait3A_160 = tpu.memref_slice %arg5[%add3A_146, %dma_wait3A_159] : memref<128x200xi32, #tpu.memory_space<vmem>> -> memref<1x96xi32, #tpu.memory_space<vmem>>
      %dma_wait3A_161 = tpu.memref_squeeze %dma_wait3A_160 : memref<1x96xi32, #tpu.memory_space<vmem>> -> memref<96xi32, #tpu.memory_space<vmem>>
      %dma_wait3A_162 = arith.constant 0 : i32
      %dma_wait3A_163 = arith.constant 0 : i32
      %dma_wait3A_164 = tpu.memref_slice %arg3[%dma_wait3A_162, %dma_wait3A_163] : memref<1000000x128xf32, #tpu.memory_space<hbm>> -> memref<1000000x128xf32, #tpu.memory_space<hbm>>
      tpu.wait_indirect_dma semaphore(%arg10 : memref<!tpu.dma_semaphore, #tpu.memory_space<semaphore_mem>>) src(%dma_wait3A_164 : memref<1000000x128xf32, #tpu.memory_space<hbm>>) dst(%dma_wait3A_158 : memref<96x128xf32, #tpu.memory_space<vmem>>)
      %scan3A_165 = arith.constant 0 : i32
      %scan3A_166 = arith.constant 0 : i32
      %scan3A_167 = arith.constant 200 : i32
      %scan3A_168 = arith.addi %scan3A_166, %scan3A_167 : i32
      %scan3A_169 = arith.constant 1 : i32
      scf.for %scan3A_233 = %scan3A_166 to %scan3A_168 step %scan3A_169  : i32 {
        %get3A = arith.index_cast %scan3A_233 : i32 to index
        %get3A_234 = arith.constant 0 : index
        %get3A_235 = tpu.vector_load %arg8[%get3A, %get3A_234] {strides = array<i32>} : memref<200x128xf32, #tpu.memory_space<vmem>>, vector<16xf32>,
        %mul3A_236 = arith.constant 8.000000e+00 : f32
        %mul3A_237 = vector.broadcast %mul3A_236 : f32 to vector<16xf32>
        %mul3A_238 = arith.mulf %get3A_235, %mul3A_237 : vector<16xf32>
        %swap3A = arith.index_cast %scan3A_233 : i32 to index
        %swap3A_239 = arith.constant 0 : index
        %swap3A_240 = tpu.vector_load %arg8[%swap3A, %swap3A_239] {strides = array<i32>} : memref<200x128xf32, #tpu.memory_space<vmem>>, vector<16xf32>,
        tpu.vector_store %arg8[%swap3A, %swap3A_239], %mul3A_238 {strides = array<i32>} : memref<200x128xf32, #tpu.memory_space<vmem>>, vector<16xf32>,
        %get3A_241 = arith.index_cast %scan3A_233 : i32 to index
        %get3A_242 = arith.constant 16 : index
        %get3A_243 = tpu.vector_load %arg8[%get3A_241, %get3A_242] {strides = array<i32>} : memref<200x128xf32, #tpu.memory_space<vmem>>, vector<16xf32>,
        %mul3A_244 = arith.constant 8.000000e+00 : f32
        %mul3A_245 = vector.broadcast %mul3A_244 : f32 to vector<16xf32>
        %mul3A_246 = arith.mulf %get3A_243, %mul3A_245 : vector<16xf32>
        %swap3A_247 = arith.index_cast %scan3A_233 : i32 to index
        %swap3A_248 = arith.constant 16 : index
        %swap3A_249 = tpu.vector_load %arg8[%swap3A_247, %swap3A_248] {strides = array<i32>} : memref<200x128xf32, #tpu.memory_space<vmem>>, vector<16xf32>,
        tpu.vector_store %arg8[%swap3A_247, %swap3A_248], %mul3A_246 {strides = array<i32>} : memref<200x128xf32, #tpu.memory_space<vmem>>, vector<16xf32>,
        %get3A_250 = arith.index_cast %scan3A_233 : i32 to index
        %get3A_251 = arith.constant 32 : index
        %get3A_252 = tpu.vector_load %arg8[%get3A_250, %get3A_251] {strides = array<i32>} : memref<200x128xf32, #tpu.memory_space<vmem>>, vector<16xf32>,
        %mul3A_253 = arith.constant 8.000000e+00 : f32
        %mul3A_254 = vector.broadcast %mul3A_253 : f32 to vector<16xf32>
        %mul3A_255 = arith.mulf %get3A_252, %mul3A_254 : vector<16xf32>
        %swap3A_256 = arith.index_cast %scan3A_233 : i32 to index
        %swap3A_257 = arith.constant 32 : index
        %swap3A_258 = tpu.vector_load %arg8[%swap3A_256, %swap3A_257] {strides = array<i32>} : memref<200x128xf32, #tpu.memory_space<vmem>>, vector<16xf32>,
        tpu.vector_store %arg8[%swap3A_256, %swap3A_257], %mul3A_255 {strides = array<i32>} : memref<200x128xf32, #tpu.memory_space<vmem>>, vector<16xf32>,
        %get3A_259 = arith.index_cast %scan3A_233 : i32 to index
        %get3A_260 = arith.constant 48 : index
        %get3A_261 = tpu.vector_load %arg8[%get3A_259, %get3A_260] {strides = array<i32>} : memref<200x128xf32, #tpu.memory_space<vmem>>, vector<16xf32>,
        %mul3A_262 = arith.constant 8.000000e+00 : f32
        %mul3A_263 = vector.broadcast %mul3A_262 : f32 to vector<16xf32>
        %mul3A_264 = arith.mulf %get3A_261, %mul3A_263 : vector<16xf32>
        %swap3A_265 = arith.index_cast %scan3A_233 : i32 to index
        %swap3A_266 = arith.constant 48 : index
        %swap3A_267 = tpu.vector_load %arg8[%swap3A_265, %swap3A_266] {strides = array<i32>} : memref<200x128xf32, #tpu.memory_space<vmem>>, vector<16xf32>,
        tpu.vector_store %arg8[%swap3A_265, %swap3A_266], %mul3A_264 {strides = array<i32>} : memref<200x128xf32, #tpu.memory_space<vmem>>, vector<16xf32>,
      }
      %scan3A_170 = arith.constant 200 : i32
      %mul3A_171 = arith.constant 200 : i32
      %mul3A_172 = arith.muli %add3A_146, %mul3A_171 : i32
      %add3A_173 = arith.addi %mul3A_4, %mul3A_172 : i32
      %dma_start3A_174 = arith.constant 0 : i32
      %dma_start3A_175 = tpu.memref_slice %arg4[%add3A_173, %dma_start3A_174] : memref<819200x128xf32, #tpu.memory_space<hbm>> -> memref<200x128xf32, #tpu.memory_space<hbm>>
      %dma_start3A_176 = arith.constant 0 : i32
      %dma_start3A_177 = tpu.memref_slice %arg4[%add3A_173, %dma_start3A_176] : memref<819200x128xf32, #tpu.memory_space<hbm>> -> memref<200x128xf32, #tpu.memory_space<hbm>>
      tpu.enqueue_dma source(%arg8 : memref<200x128xf32, #tpu.memory_space<vmem>>) target(%dma_start3A_177 : memref<200x128xf32, #tpu.memory_space<hbm>>) target_semaphore(%arg11 : memref<!tpu.dma_semaphore, #tpu.memory_space<semaphore_mem>>)
      %ge3A_178 = arith.constant 2 : i32
      %ge3A_179 = arith.cmpi sge, %add3A_146, %ge3A_178 : i32
      %convert_element_type3A_180 = arith.extui %ge3A_179 : i1 to i32
      %cond3A_181 = arith.constant 0 : i32
      %cond3A_182 = arith.cmpi ne, %convert_element_type3A_180, %cond3A_181 : i32
      scf.if %cond3A_182 {
        %dma_wait3A_233 = arith.constant 0 : i32
        %dma_wait3A_234 = tpu.memref_slice %arg4[%mul3A_4, %dma_wait3A_233] : memref<819200x128xf32, #tpu.memory_space<hbm>> -> memref<200x128xf32, #tpu.memory_space<hbm>>
        %dma_wait3A_235 = arith.constant 0 : i32
        %dma_wait3A_236 = tpu.memref_slice %arg4[%mul3A_4, %dma_wait3A_235] : memref<819200x128xf32, #tpu.memory_space<hbm>> -> memref<200x128xf32, #tpu.memory_space<hbm>>
        tpu.wait_dma2 semaphore(%arg11 : memref<!tpu.dma_semaphore, #tpu.memory_space<semaphore_mem>>) src(%arg6 : memref<200x128xf32, #tpu.memory_space<vmem>>) dst(%dma_wait3A_236 : memref<200x128xf32, #tpu.memory_space<hbm>>)
      } else {
      }
      %le3A_183 = arith.constant 125 : i32
      %le3A_184 = arith.cmpi sle, %add3A_146, %le3A_183 : i32
      %convert_element_type3A_185 = arith.extui %le3A_184 : i1 to i32
      %cond3A_186 = arith.constant 0 : i32
      %cond3A_187 = arith.cmpi ne, %convert_element_type3A_185, %cond3A_186 : i32
      scf.if %cond3A_187 {
        %add3A_233 = arith.constant 2 : i32
        %add3A_234 = arith.addi %add3A_146, %add3A_233 : i32
        %dma_start3A_235 = arith.constant 0 : i32
        %dma_start3A_236 = arith.constant 0 : i32
        %dma_start3A_237 = tpu.memref_slice %arg6[%dma_start3A_235, %dma_start3A_236] : memref<200x128xf32, #tpu.memory_space<vmem>> -> memref<104x128xf32, #tpu.memory_space<vmem>>
        %dma_start3A_238 = arith.constant 0 : i32
        %dma_start3A_239 = tpu.memref_slice %arg5[%add3A_234, %dma_start3A_238] : memref<128x200xi32, #tpu.memory_space<vmem>> -> memref<1x104xi32, #tpu.memory_space<vmem>>
        %dma_start3A_240 = tpu.memref_squeeze %dma_start3A_239 : memref<1x104xi32, #tpu.memory_space<vmem>> -> memref<104xi32, #tpu.memory_space<vmem>>
        %dma_start3A_241 = arith.constant 0 : i32
        %dma_start3A_242 = arith.constant 0 : i32
        %dma_start3A_243 = tpu.memref_slice %arg3[%dma_start3A_241, %dma_start3A_242] : memref<1000000x128xf32, #tpu.memory_space<hbm>> -> memref<1000000x128xf32, #tpu.memory_space<hbm>>
        tpu.enqueue_indirect_dma source(%dma_start3A_243 : memref<1000000x128xf32, #tpu.memory_space<hbm>>) target(%dma_start3A_237 : memref<104x128xf32, #tpu.memory_space<vmem>>) offsets(%dma_start3A_240 : memref<104xi32, #tpu.memory_space<vmem>>) semaphore(%arg10 : memref<!tpu.dma_semaphore, #tpu.memory_space<semaphore_mem>>)
        %dma_start3A_244 = arith.constant 104 : i32
        %dma_start3A_245 = arith.constant 0 : i32
        %dma_start3A_246 = tpu.memref_slice %arg6[%dma_start3A_244, %dma_start3A_245] : memref<200x128xf32, #tpu.memory_space<vmem>> -> memref<96x128xf32, #tpu.memory_space<vmem>>
        %dma_start3A_247 = arith.constant 104 : i32
        %dma_start3A_248 = tpu.memref_slice %arg5[%add3A_234, %dma_start3A_247] : memref<128x200xi32, #tpu.memory_space<vmem>> -> memref<1x96xi32, #tpu.memory_space<vmem>>
        %dma_start3A_249 = tpu.memref_squeeze %dma_start3A_248 : memref<1x96xi32, #tpu.memory_space<vmem>> -> memref<96xi32, #tpu.memory_space<vmem>>
        %dma_start3A_250 = arith.constant 0 : i32
        %dma_start3A_251 = arith.constant 0 : i32
        %dma_start3A_252 = tpu.memref_slice %arg3[%dma_start3A_250, %dma_start3A_251] : memref<1000000x128xf32, #tpu.memory_space<hbm>> -> memref<1000000x128xf32, #tpu.memory_space<hbm>>
        tpu.enqueue_indirect_dma source(%dma_start3A_252 : memref<1000000x128xf32, #tpu.memory_space<hbm>>) target(%dma_start3A_246 : memref<96x128xf32, #tpu.memory_space<vmem>>) offsets(%dma_start3A_249 : memref<96xi32, #tpu.memory_space<vmem>>) semaphore(%arg10 : memref<!tpu.dma_semaphore, #tpu.memory_space<semaphore_mem>>)
      } else {
      }
      %mul3A_188 = arith.constant 4 : i32
      %mul3A_189 = arith.muli %mul3A_188, %scan3A_56 : i32
      %add3A_190 = arith.constant 3 : i32
      %add3A_191 = arith.addi %mul3A_189, %add3A_190 : i32
      %dma_wait3A_192 = arith.constant 0 : i32
      %dma_wait3A_193 = arith.constant 0 : i32
      %dma_wait3A_194 = tpu.memref_slice %arg9[%dma_wait3A_192, %dma_wait3A_193] : memref<200x128xf32, #tpu.memory_space<vmem>> -> memref<104x128xf32, #tpu.memory_space<vmem>>
      %dma_wait3A_195 = arith.constant 0 : i32
      %dma_wait3A_196 = tpu.memref_slice %arg5[%add3A_191, %dma_wait3A_195] : memref<128x200xi32, #tpu.memory_space<vmem>> -> memref<1x104xi32, #tpu.memory_space<vmem>>
      %dma_wait3A_197 = tpu.memref_squeeze %dma_wait3A_196 : memref<1x104xi32, #tpu.memory_space<vmem>> -> memref<104xi32, #tpu.memory_space<vmem>>
      %dma_wait3A_198 = arith.constant 0 : i32
      %dma_wait3A_199 = arith.constant 0 : i32
      %dma_wait3A_200 = tpu.memref_slice %arg3[%dma_wait3A_198, %dma_wait3A_199] : memref<1000000x128xf32, #tpu.memory_space<hbm>> -> memref<1000000x128xf32, #tpu.memory_space<hbm>>
      tpu.wait_indirect_dma semaphore(%arg10 : memref<!tpu.dma_semaphore, #tpu.memory_space<semaphore_mem>>) src(%dma_wait3A_200 : memref<1000000x128xf32, #tpu.memory_space<hbm>>) dst(%dma_wait3A_194 : memref<104x128xf32, #tpu.memory_space<vmem>>)
      %dma_wait3A_201 = arith.constant 104 : i32
      %dma_wait3A_202 = arith.constant 0 : i32
      %dma_wait3A_203 = tpu.memref_slice %arg9[%dma_wait3A_201, %dma_wait3A_202] : memref<200x128xf32, #tpu.memory_space<vmem>> -> memref<96x128xf32, #tpu.memory_space<vmem>>
      %dma_wait3A_204 = arith.constant 104 : i32
      %dma_wait3A_205 = tpu.memref_slice %arg5[%add3A_191, %dma_wait3A_204] : memref<128x200xi32, #tpu.memory_space<vmem>> -> memref<1x96xi32, #tpu.memory_space<vmem>>
      %dma_wait3A_206 = tpu.memref_squeeze %dma_wait3A_205 : memref<1x96xi32, #tpu.memory_space<vmem>> -> memref<96xi32, #tpu.memory_space<vmem>>
      %dma_wait3A_207 = arith.constant 0 : i32
      %dma_wait3A_208 = arith.constant 0 : i32
      %dma_wait3A_209 = tpu.memref_slice %arg3[%dma_wait3A_207, %dma_wait3A_208] : memref<1000000x128xf32, #tpu.memory_space<hbm>> -> memref<1000000x128xf32, #tpu.memory_space<hbm>>
      tpu.wait_indirect_dma semaphore(%arg10 : memref<!tpu.dma_semaphore, #tpu.memory_space<semaphore_mem>>) src(%dma_wait3A_209 : memref<1000000x128xf32, #tpu.memory_space<hbm>>) dst(%dma_wait3A_203 : memref<96x128xf32, #tpu.memory_space<vmem>>)
      %scan3A_210 = arith.constant 0 : i32
      %scan3A_211 = arith.constant 0 : i32
      %scan3A_212 = arith.constant 200 : i32
      %scan3A_213 = arith.addi %scan3A_211, %scan3A_212 : i32
      %scan3A_214 = arith.constant 1 : i32
      scf.for %scan3A_233 = %scan3A_211 to %scan3A_213 step %scan3A_214  : i32 {
        %get3A = arith.index_cast %scan3A_233 : i32 to index
        %get3A_234 = arith.constant 0 : index
        %get3A_235 = tpu.vector_load %arg9[%get3A, %get3A_234] {strides = array<i32>} : memref<200x128xf32, #tpu.memory_space<vmem>>, vector<16xf32>,
        %mul3A_236 = arith.constant 8.000000e+00 : f32
        %mul3A_237 = vector.broadcast %mul3A_236 : f32 to vector<16xf32>
        %mul3A_238 = arith.mulf %get3A_235, %mul3A_237 : vector<16xf32>
        %swap3A = arith.index_cast %scan3A_233 : i32 to index
        %swap3A_239 = arith.constant 0 : index
        %swap3A_240 = tpu.vector_load %arg9[%swap3A, %swap3A_239] {strides = array<i32>} : memref<200x128xf32, #tpu.memory_space<vmem>>, vector<16xf32>,
        tpu.vector_store %arg9[%swap3A, %swap3A_239], %mul3A_238 {strides = array<i32>} : memref<200x128xf32, #tpu.memory_space<vmem>>, vector<16xf32>,
        %get3A_241 = arith.index_cast %scan3A_233 : i32 to index
        %get3A_242 = arith.constant 16 : index
        %get3A_243 = tpu.vector_load %arg9[%get3A_241, %get3A_242] {strides = array<i32>} : memref<200x128xf32, #tpu.memory_space<vmem>>, vector<16xf32>,
        %mul3A_244 = arith.constant 8.000000e+00 : f32
        %mul3A_245 = vector.broadcast %mul3A_244 : f32 to vector<16xf32>
        %mul3A_246 = arith.mulf %get3A_243, %mul3A_245 : vector<16xf32>
        %swap3A_247 = arith.index_cast %scan3A_233 : i32 to index
        %swap3A_248 = arith.constant 16 : index
        %swap3A_249 = tpu.vector_load %arg9[%swap3A_247, %swap3A_248] {strides = array<i32>} : memref<200x128xf32, #tpu.memory_space<vmem>>, vector<16xf32>,
        tpu.vector_store %arg9[%swap3A_247, %swap3A_248], %mul3A_246 {strides = array<i32>} : memref<200x128xf32, #tpu.memory_space<vmem>>, vector<16xf32>,
        %get3A_250 = arith.index_cast %scan3A_233 : i32 to index
        %get3A_251 = arith.constant 32 : index
        %get3A_252 = tpu.vector_load %arg9[%get3A_250, %get3A_251] {strides = array<i32>} : memref<200x128xf32, #tpu.memory_space<vmem>>, vector<16xf32>,
        %mul3A_253 = arith.constant 8.000000e+00 : f32
        %mul3A_254 = vector.broadcast %mul3A_253 : f32 to vector<16xf32>
        %mul3A_255 = arith.mulf %get3A_252, %mul3A_254 : vector<16xf32>
        %swap3A_256 = arith.index_cast %scan3A_233 : i32 to index
        %swap3A_257 = arith.constant 32 : index
        %swap3A_258 = tpu.vector_load %arg9[%swap3A_256, %swap3A_257] {strides = array<i32>} : memref<200x128xf32, #tpu.memory_space<vmem>>, vector<16xf32>,
        tpu.vector_store %arg9[%swap3A_256, %swap3A_257], %mul3A_255 {strides = array<i32>} : memref<200x128xf32, #tpu.memory_space<vmem>>, vector<16xf32>,
        %get3A_259 = arith.index_cast %scan3A_233 : i32 to index
        %get3A_260 = arith.constant 48 : index
        %get3A_261 = tpu.vector_load %arg9[%get3A_259, %get3A_260] {strides = array<i32>} : memref<200x128xf32, #tpu.memory_space<vmem>>, vector<16xf32>,
        %mul3A_262 = arith.constant 8.000000e+00 : f32
        %mul3A_263 = vector.broadcast %mul3A_262 : f32 to vector<16xf32>
        %mul3A_264 = arith.mulf %get3A_261, %mul3A_263 : vector<16xf32>
        %swap3A_265 = arith.index_cast %scan3A_233 : i32 to index
        %swap3A_266 = arith.constant 48 : index
        %swap3A_267 = tpu.vector_load %arg9[%swap3A_265, %swap3A_266] {strides = array<i32>} : memref<200x128xf32, #tpu.memory_space<vmem>>, vector<16xf32>,
        tpu.vector_store %arg9[%swap3A_265, %swap3A_266], %mul3A_264 {strides = array<i32>} : memref<200x128xf32, #tpu.memory_space<vmem>>, vector<16xf32>,
      }
      %scan3A_215 = arith.constant 200 : i32
      %mul3A_216 = arith.constant 200 : i32
      %mul3A_217 = arith.muli %add3A_191, %mul3A_216 : i32
      %add3A_218 = arith.addi %mul3A_4, %mul3A_217 : i32
      %dma_start3A_219 = arith.constant 0 : i32
      %dma_start3A_220 = tpu.memref_slice %arg4[%add3A_218, %dma_start3A_219] : memref<819200x128xf32, #tpu.memory_space<hbm>> -> memref<200x128xf32, #tpu.memory_space<hbm>>
      %dma_start3A_221 = arith.constant 0 : i32
      %dma_start3A_222 = tpu.memref_slice %arg4[%add3A_218, %dma_start3A_221] : memref<819200x128xf32, #tpu.memory_space<hbm>> -> memref<200x128xf32, #tpu.memory_space<hbm>>
      tpu.enqueue_dma source(%arg9 : memref<200x128xf32, #tpu.memory_space<vmem>>) target(%dma_start3A_222 : memref<200x128xf32, #tpu.memory_space<hbm>>) target_semaphore(%arg11 : memref<!tpu.dma_semaphore, #tpu.memory_space<semaphore_mem>>)
      %ge3A_223 = arith.constant 2 : i32
      %ge3A_224 = arith.cmpi sge, %add3A_191, %ge3A_223 : i32
      %convert_element_type3A_225 = arith.extui %ge3A_224 : i1 to i32
      %cond3A_226 = arith.constant 0 : i32
      %cond3A_227 = arith.cmpi ne, %convert_element_type3A_225, %cond3A_226 : i32
      scf.if %cond3A_227 {
        %dma_wait3A_233 = arith.constant 0 : i32
        %dma_wait3A_234 = tpu.memref_slice %arg4[%mul3A_4, %dma_wait3A_233] : memref<819200x128xf32, #tpu.memory_space<hbm>> -> memref<200x128xf32, #tpu.memory_space<hbm>>
        %dma_wait3A_235 = arith.constant 0 : i32
        %dma_wait3A_236 = tpu.memref_slice %arg4[%mul3A_4, %dma_wait3A_235] : memref<819200x128xf32, #tpu.memory_space<hbm>> -> memref<200x128xf32, #tpu.memory_space<hbm>>
        tpu.wait_dma2 semaphore(%arg11 : memref<!tpu.dma_semaphore, #tpu.memory_space<semaphore_mem>>) src(%arg7 : memref<200x128xf32, #tpu.memory_space<vmem>>) dst(%dma_wait3A_236 : memref<200x128xf32, #tpu.memory_space<hbm>>)
      } else {
      }
      %le3A_228 = arith.constant 125 : i32
      %le3A_229 = arith.cmpi sle, %add3A_191, %le3A_228 : i32
      %convert_element_type3A_230 = arith.extui %le3A_229 : i1 to i32
      %cond3A_231 = arith.constant 0 : i32
      %cond3A_232 = arith.cmpi ne, %convert_element_type3A_230, %cond3A_231 : i32
      scf.if %cond3A_232 {
        %add3A_233 = arith.constant 2 : i32
        %add3A_234 = arith.addi %add3A_191, %add3A_233 : i32
        %dma_start3A_235 = arith.constant 0 : i32
        %dma_start3A_236 = arith.constant 0 : i32
        %dma_start3A_237 = tpu.memref_slice %arg7[%dma_start3A_235, %dma_start3A_236] : memref<200x128xf32, #tpu.memory_space<vmem>> -> memref<104x128xf32, #tpu.memory_space<vmem>>
        %dma_start3A_238 = arith.constant 0 : i32
        %dma_start3A_239 = tpu.memref_slice %arg5[%add3A_234, %dma_start3A_238] : memref<128x200xi32, #tpu.memory_space<vmem>> -> memref<1x104xi32, #tpu.memory_space<vmem>>
        %dma_start3A_240 = tpu.memref_squeeze %dma_start3A_239 : memref<1x104xi32, #tpu.memory_space<vmem>> -> memref<104xi32, #tpu.memory_space<vmem>>
        %dma_start3A_241 = arith.constant 0 : i32
        %dma_start3A_242 = arith.constant 0 : i32
        %dma_start3A_243 = tpu.memref_slice %arg3[%dma_start3A_241, %dma_start3A_242] : memref<1000000x128xf32, #tpu.memory_space<hbm>> -> memref<1000000x128xf32, #tpu.memory_space<hbm>>
        tpu.enqueue_indirect_dma source(%dma_start3A_243 : memref<1000000x128xf32, #tpu.memory_space<hbm>>) target(%dma_start3A_237 : memref<104x128xf32, #tpu.memory_space<vmem>>) offsets(%dma_start3A_240 : memref<104xi32, #tpu.memory_space<vmem>>) semaphore(%arg10 : memref<!tpu.dma_semaphore, #tpu.memory_space<semaphore_mem>>)
        %dma_start3A_244 = arith.constant 104 : i32
        %dma_start3A_245 = arith.constant 0 : i32
        %dma_start3A_246 = tpu.memref_slice %arg7[%dma_start3A_244, %dma_start3A_245] : memref<200x128xf32, #tpu.memory_space<vmem>> -> memref<96x128xf32, #tpu.memory_space<vmem>>
        %dma_start3A_247 = arith.constant 104 : i32
        %dma_start3A_248 = tpu.memref_slice %arg5[%add3A_234, %dma_start3A_247] : memref<128x200xi32, #tpu.memory_space<vmem>> -> memref<1x96xi32, #tpu.memory_space<vmem>>
        %dma_start3A_249 = tpu.memref_squeeze %dma_start3A_248 : memref<1x96xi32, #tpu.memory_space<vmem>> -> memref<96xi32, #tpu.memory_space<vmem>>
        %dma_start3A_250 = arith.constant 0 : i32
        %dma_start3A_251 = arith.constant 0 : i32
        %dma_start3A_252 = tpu.memref_slice %arg3[%dma_start3A_250, %dma_start3A_251] : memref<1000000x128xf32, #tpu.memory_space<hbm>> -> memref<1000000x128xf32, #tpu.memory_space<hbm>>
        tpu.enqueue_indirect_dma source(%dma_start3A_252 : memref<1000000x128xf32, #tpu.memory_space<hbm>>) target(%dma_start3A_246 : memref<96x128xf32, #tpu.memory_space<vmem>>) offsets(%dma_start3A_249 : memref<96xi32, #tpu.memory_space<vmem>>) semaphore(%arg10 : memref<!tpu.dma_semaphore, #tpu.memory_space<semaphore_mem>>)
      } else {
      }
    }
    %scan3A_48 = arith.constant 32 : i32
    %dma_wait3A = arith.constant 0 : i32
    %dma_wait3A_49 = tpu.memref_slice %arg4[%mul3A_4, %dma_wait3A] : memref<819200x128xf32, #tpu.memory_space<hbm>> -> memref<200x128xf32, #tpu.memory_space<hbm>>
    %dma_wait3A_50 = arith.constant 0 : i32
    %dma_wait3A_51 = tpu.memref_slice %arg4[%mul3A_4, %dma_wait3A_50] : memref<819200x128xf32, #tpu.memory_space<hbm>> -> memref<200x128xf32, #tpu.memory_space<hbm>>
    tpu.wait_dma2 semaphore(%arg11 : memref<!tpu.dma_semaphore, #tpu.memory_space<semaphore_mem>>) src(%arg8 : memref<200x128xf32, #tpu.memory_space<vmem>>) dst(%dma_wait3A_51 : memref<200x128xf32, #tpu.memory_space<hbm>>)
    %dma_wait3A_52 = arith.constant 0 : i32
    %dma_wait3A_53 = tpu.memref_slice %arg4[%mul3A_4, %dma_wait3A_52] : memref<819200x128xf32, #tpu.memory_space<hbm>> -> memref<200x128xf32, #tpu.memory_space<hbm>>
    %dma_wait3A_54 = arith.constant 0 : i32
    %dma_wait3A_55 = tpu.memref_slice %arg4[%mul3A_4, %dma_wait3A_54] : memref<819200x128xf32, #tpu.memory_space<hbm>> -> memref<200x128xf32, #tpu.memory_space<hbm>>
    tpu.wait_dma2 semaphore(%arg11 : memref<!tpu.dma_semaphore, #tpu.memory_space<semaphore_mem>>) src(%arg9 : memref<200x128xf32, #tpu.memory_space<vmem>>) dst(%dma_wait3A_55 : memref<200x128xf32, #tpu.memory_space<hbm>>)
    return
  }
}

</mosaic_0001>

<sc_bundles>
// kernel: kernel.3.cloned.1.call-start
scs
__scs_entry_jumppad:
0x0: {  	(pc) =	sbr.rel $0x88, $3  }
0x1: {  	(tag) =	ssettag $0x0;
	lr =	simm.s32 $0x1  }
0x2: {  	[smem:$0x3F9F] =	sst lr;
	_ =	strace $0xD0000000  }
0x3: {  	_ = 	snop  }
0x4: {  	_ = 	snop  }
0x5: {  	_ = 	snop  }
0x6: {  	_ = 	snop  }
0x7: {  	_ = 	snop  }
__scs_overlays_trampoline_lowered:
0x8: {  	[smem:$0x3FAE] =	sst s0  }
0x9: {  	[smem:$0x3FAF] =	sst s1  }
0xa: {  	[smem:$0x3FB0] =	sst s2  }
0xb: {  	[smem:$0x3FB1] =	sst s3  }
0xc: {  	[smem:$0x3FB2] =	sst s4  }
0xd: {  	[smem:$0x3FB3] =	sst s5  }
0xe: {  	[smem:$0x3FB4] =	sst s6  }
0xf: {  	[smem:$0x3FB5] =	sst s7  }
0x10: {  	[smem:$0x3FB6] =	sst s8  }
0x11: {  	[smem:$0x3FB7] =	sst s9;
	s0 =	simm.s32 @!p0 $0x0  }
0x12: {  	s1 =	sld [smem:$0x3F9D];
	s0 =	simm.s32 @p0 $0x1  }
0x13: {  	[smem:$0x3FB8] =	sst s0;
	s0 =	simm.s32 @!p1 $0x0  }
0x14: {  	s2 =	sld [smem:$0x3F9C];
	s0 =	simm.s32 @p1 $0x1  }
0x15: {  	[smem:$0x3FB9] =	sst s0;
	s0 =	simm.s32 @!p2 $0x0  }
0x16: {  	s3 =	sld [smem:$0x3FDB];
	s0 =	simm.s32 @p2 $0x1  }
0x17: {  	s4 =	simm.s32 $0x1BF5;
	[smem:$0x3FBB] =	sst s0  }
0x18: {  	s0 =	sld [smem:$0x3F9E];
	_ =	swait.ge [sflag:s4], $0x0  }
0x19: {  	s7 =	sld [smem:$0x3F9F]  }
0x1a: {  	s8 =	sadd.s32 $0xFFFFE003, lr  }
0x1b: {  	s9 =	sadd.s32 $0xFFFFFEF7, lr;
	s5 =	simm.s32 $0xFFFFFFFF;
	p2 =	slt.u32 s8, $0xFFFFF086  }
0x1c: {  	p1 =	slt.u32 s9, $0xF7A;
	s5 =	simm.s32 @!p2 $0x0  }
0x1d: {  	s5 =	simm.s32 @p1 $0x1;
	p0 =	seq.s32 s7, s2  }
0x1e: {  	s7 =	smul.u32 @!p0 $0xF7A, s2;
	p2 =	seq.s32 @!p0 s5, $0x0  }
0x1f: {  	s9 =	smul.u32 $0xF7A, s1;
	s8 =	simm.s32 @!p0 $0x1BF5;
	p2 =	por !p2, p0  }
0x20: {  	[sflag:s8] =	ssyncset.s32 @!p0 $0xFFFFF086;
	s6 =	sadd.s32 @!p0 s3, s7;
	s7 =	simm.s32 @!p0 $0x108  }
0x21: {  	s3 =	sadd.s32 s3, s9;
	s6 =	sadd.s32 @!p0 $0x88, s6;
	s7 =	simm.s32 @p2 $0x1082  }
0x22: {  	[simem:s7], [sflag:s8] =	dma.local @!p0 [hbm:s6], $0xF7A  }
0x23: {  	s9 =	sor.u32 $0xD0000000, s2;
	s6 =	simm.s32 $0x108;
	_ =	swait.ge @!p0 [sflag:s8], $0x0  }
0x24: {  	s3 =	sadd.s32 $0x88, s3;
	s6 =	simm.s32 @!p1 $0x1082;
	[sflag:s4] =	ssyncset.s32 $0xFFFFF086  }
0x25: {  	[simem:s6], [sflag:s4] =	dma.local [hbm:s3], $0xF7A  }
0x26: {  	[smem:$0x3F9F] =	sst s1;
	(tag) =	ssettag s2;
	_ =	strace s9  }
0x27: {  	s1 =	sld [smem:$0x3FAF]  }
0x28: {  	s2 =	sld [smem:$0x3FB0]  }
0x29: {  	s4 =	sld [smem:$0x3FB2]  }
0x2a: {  	p0 =	seq.s32 s5, $0x0;
	s5 =	sld [smem:$0x3FB3]  }
0x2b: {  	s6 =	sld [smem:$0x3FB4]  }
0x2c: {  	s7 =	sld [smem:$0x3FB5]  }
0x2d: {  	s3 =	simm.s32 $0x108;
	s8 =	sld [smem:$0x3FB6]  }
0x2e: {  	s3 =	simm.s32 @!p0 $0x1082;
	s9 =	sld [smem:$0x3FB7]  }
0x2f: {  	lr =	sadd.s32 s0, s3;
	s0 =	sld [smem:$0x3FAE]  }
0x30: {  	s3 =	sld [smem:$0x3FB1]  }
0x31: {  	[smem:$0x3FBA] =	sst s10  }
0x32: {  	s10 =	sld [smem:$0x3FB8];
	_ =	sdelay $0x3  }
0x33: {  	p0 =	seq.s32 s10, $0x1;
	s10 =	sld [smem:$0x3FBA];
	_ =	sdelay $0x3  }
0x34: {  	[smem:$0x3FBA] =	sst s10  }
0x35: {  	s10 =	sld [smem:$0x3FB9];
	_ =	sdelay $0x3  }
0x36: {  	p1 =	seq.s32 s10, $0x1;
	s10 =	sld [smem:$0x3FBA];
	_ =	sdelay $0x3  }
0x37: {  	[smem:$0x3FBA] =	sst s10  }
0x38: {  	s10 =	sld [smem:$0x3FBB]  }
0x39: {  	_ = 	snop;
	(pc) =	sbr.ind lr, $3  }
0x3a: {  	_ = 	snop  }
0x3b: {  	_ = 	snop  }
0x3c: {  	p2 =	seq.s32 s10, $0x1;
	s10 =	sld [smem:$0x3FBA]  }
0x3d: {  	_ =	shalt  }
0x3e: {  	_ =	shalt  }
0x3f: {  	_ =	shalt  }
0x40: {  	_ =	shalt  }
0x41: {  	_ =	shalt  }
0x42: {  	_ =	shalt  }
0x43: {  	_ =	shalt  }
0x44: {  	_ =	shalt  }
0x45: {  	_ =	shalt  }
0x46: {  	_ =	shalt  }
0x47: {  	_ =	shalt  }
0x48: {  	_ =	shalt  }
0x49: {  	_ =	shalt  }
0x4a: {  	_ =	shalt  }
0x4b: {  	_ =	shalt  }
0x4c: {  	_ =	shalt  }
0x4d: {  	_ =	shalt  }
0x4e: {  	_ =	shalt  }
0x4f: {  	_ =	shalt  }
0x50: {  	_ =	shalt  }
0x51: {  	_ =	shalt  }
0x52: {  	_ =	shalt  }
0x53: {  	_ =	shalt  }
0x54: {  	_ =	shalt  }
0x55: {  	_ =	shalt  }
0x56: {  	_ =	shalt  }
0x57: {  	_ =	shalt  }
0x58: {  	_ =	shalt  }
0x59: {  	_ =	shalt  }
0x5a: {  	_ =	shalt  }
0x5b: {  	_ =	shalt  }
0x5c: {  	_ =	shalt  }
0x5d: {  	_ =	shalt  }
0x5e: {  	_ =	shalt  }
0x5f: {  	_ =	shalt  }
0x60: {  	_ =	shalt  }
0x61: {  	_ =	shalt  }
0x62: {  	_ =	shalt  }
0x63: {  	_ =	shalt  }
0x64: {  	_ =	shalt  }
0x65: {  	_ =	shalt  }
0x66: {  	_ =	shalt  }
0x67: {  	_ =	shalt  }
0x68: {  	_ =	shalt  }
0x69: {  	_ =	shalt  }
0x6a: {  	_ =	shalt  }
0x6b: {  	_ =	shalt  }
0x6c: {  	_ =	shalt  }
0x6d: {  	_ =	shalt  }
0x6e: {  	_ =	shalt  }
0x6f: {  	_ =	shalt  }
0x70: {  	_ =	shalt  }
0x71: {  	_ =	shalt  }
0x72: {  	_ =	shalt  }
0x73: {  	_ =	shalt  }
0x74: {  	_ =	shalt  }
0x75: {  	_ =	shalt  }
0x76: {  	_ =	shalt  }
0x77: {  	_ =	shalt  }
0x78: {  	_ =	shalt  }
0x79: {  	_ =	shalt  }
0x7a: {  	_ =	shalt  }
0x7b: {  	_ =	shalt  }
0x7c: {  	_ =	shalt  }
0x7d: {  	_ =	shalt  }
0x7e: {  	_ =	shalt  }
0x7f: {  	_ =	shalt  }
0x80: {  	_ =	shalt  }
0x81: {  	_ =	shalt  }
0x82: {  	_ =	shalt  }
0x83: {  	_ =	shalt  }
0x84: {  	_ =	shalt  }
0x85: {  	_ =	shalt  }
0x86: {  	_ =	shalt  }
0x87: {  	_ =	shalt  }
.Lfunc_end0:
.L_simem_size_0:
called_computation.1_lowered:
.L_overlay_start_0:
0x88: {  	s2 =	sld [smem:$0x3FD9]  }
0x89: {  	s3 =	sld [smem:$0x3FFE];
	_ =	sdelay $0x1  }
0x8a: {  	s1 =	srdreg.scid  }
0x8b: {  	s0 =	sand.u32 $0x1, s1  }
0x8c: {  	s17 =	sshll.u32 s0, $0xA;
	s2 =	sadd.s32 s3, s2  }
0x8d: {  	s2 =	sadd.s32 s2, s17  }
0x8e: {  	[smem:$0x3FC6] =	sst s2  }
0x8f: {  	_ = 	snop  }
0x90: {  	s2 =	sld [smem:$0x3FD0];
	(tm) =	ssettm $0x1  }
0x91: {  	s18 =	sld [smem:$0x3FFB];
	_ =	sdelay $0x3  }
0x92: {  	_ =	strace s18  }
0x93: {  	s3 =	sld [smem:$0x3FFC];
	_ =	sdelay $0x3  }
0x94: {  	_ =	strace s3  }
0x95: {  	s3 =	sld [smem:$0x3FFD];
	_ =	sdelay $0x3  }
0x96: {  	_ =	strace s3  }
0x97: {  	_ =	strace $0x8FFFFFFF  }
0x98: {  	s19 =	sld [smem:$0x3FDB];
	_ =	sdelay $0x1  }
0x99: {  	s4 =	simm.s32 $_scs_section_size  }
0x9a: {  	s5 =	simm.s32 $_size__tile_overlayer_lowered;
	s6 =	simm.s32 $_tile_overlayer_lowered  }
0x9b: {  	s22 =	simm.s32 $0x1BFF;
	s21 =	sshll.u32 s6, $0x1;
	s3 =	sadd.s32 s4, s19  }
0x9c: {  	s7 =	simm.s32 $0x0;
	s20 =	sshll.u32 s5, $0x1;
	s5 =	sadd.s32 s21, s3  }
0x9d: {  	[timem:s7], [sflag:s22] =	dma.local [hbm:s5], s20  }
0x9e: {  	_ =	swait.ge [sflag:s22], s20  }
0x9f: {  	s4 =	ssub.s32 $0x0, s20;
	[sflag:s22] =	ssyncset.done $0x0  }
0xa0: {  	[sflag:s22] =	ssyncadd.s32 s4;
	_ =	sdelay $0x1  }
0xa1: {  	s23 =	simm.s32 $0x1B8B  }
0xa2: {  	_ =	swait.ge [sflag:s23], $0x1  }
0xa3: {  	[sflag:s23] =	ssyncset.done $0x0  }
0xa4: {  	s25 =	simm.s32 $0x1B8E;
	s24 =	sld [smem:$0x3FFE];
	[sflag:s23] =	ssyncadd.s32 $0xFFFFFFFF  }
0xa5: {  	s26 =	simm.s32 $execute0_lowered;
	[smem:$0x3FD2] =	sst s25  }
0xa6: {  	s5 =	sshll.u32 s26, $0x1;
	_ =	strace $0x80000046;
	[dreg:$0x1] =	wrdreg $0xFFFFFFFF  }
0xa7: {  	s28 =	simm.s32 $_size_execute0_lowered;
	s3 =	sadd.s32 s3, s5;
	[dreg:$0x0] =	wrdreg $0x0  }
0xa8: {  	s5 =	sshll.u32 s28, $0x1;
	[dreg:$0x2] =	wrdreg s3  }
0xa9: {  	[dreg:$0x3] =	wrdreg s5  }
0xaa: {  	[dreg:$0x4] =	wrdreg $0xC0  }
0xab: {  	_ =	task [dreg:s7], $0x5FFFF  }
0xac: {  	[dreg:$0x1] =	wrdreg $0xFFFFFFFF  }
0xad: {  	[dreg:$0x0] =	wrdreg $0x60  }
0xae: {  	[dreg:$0x2] =	wrdreg s2  }
0xaf: {  	[dreg:$0x3] =	wrdreg s24  }
0xb0: {  	[dreg:$0x4] =	wrdreg $0x9  }
0xb1: {  	_ =	task.clear_ibuf [dreg:s7], $0x5FFFF;
	_ =	strace $0x90000046  }
0xb2: {  	s29 =	simm.s32 $0x9;
	_ =	strace $0x80000048  }
0xb3: {  	_ =	swait.ge [sflag:s29], $0x1  }
0xb4: {  	[sflag:s29] =	ssyncadd.s32 $0xFFFFFFFF  }
0xb5: {  	_ =	strace $0x90000048  }
0xb6: {  	_ =	sfence  }
0xb7: {  	s30 =	sld [smem:$0x0];
	_ =	sdelay $0x2  }
0xb8: {  	s31 =	sshll.u32 s1, $0xD;
	s1 =	sshrl.u32 s1, $0x2  }
0xb9: {  	s3 =	sand.u32 $0x4000, s31;
	s1 =	sadd.s32 s1, s30  }
0xba: {  	s0 =	sor.u32 s3, s0;
	s1 =	sshll.u32 s1, $0x11  }
0xbb: {  	s0 =	sor.u32 s1, s0  }
0xbc: {  	s0 =	sadd.s32 $0x8F2B, s0  }
0xbd: {  	[sflag:s0] =	ssyncadd.remote.s32 $0x1  }
0xbe: {  	_ =	sfence.sel $0xFFFF  }
0xbf: {  	[dreg:$0x0] =	wrdreg $0xFFFFFFFF;
	(pc) =	sbr.abs _section_cstart, $3  }
0xc0: {  	[dreg:$0x1] =	wrdreg $0xFFFFFFFF  }
0xc1: {  	_ =	task.clear_ibuf [dreg:s7], $0x2FFFF;
	_ =	strace $0x9FFFFFFF  }
0xc2: {  	(tm) =	ssettm $0x7FFFFFFF  }
0xc3: {  	_ =	shalt  }
tec
execute0_lowered:
.L_overlay_start_1:
0x0: {  	(tag) =	ssettag $0x1  }
0x1: {  	s6 =	rddreg [dreg:$0x0]  }
0x2: {  	s5 =	rddreg [dreg:$0x1]  }
0x3: {  	s0 =	rddreg [dreg:$0x2];
	s3 =	srdreg.scid  }
0x4: {  	s1 =	stileid.u32;
	s2 =	simm.s32 $0x0;
	s10 =	simm.s32 $0x68  }
0x5: {  	s11 =	simm.s32 $0x6400;
	s12 =	simm.s32 $0x60;
	s13 =	simm.s32 $0x9800  }
0x6: {  	s14 =	simm.s32 $0xC8;
	s15 =	simm.s32 $0xC800;
	s16 =	simm.s32 $0x130  }
0x7: {  	s17 =	simm.s32 $0xFC00;
	s18 =	simm.s32 $0x1;
	s19 =	simm.s32 $0x12C00  }
0x8: {  	s20 =	simm.s32 $0x16000;
	s21 =	simm.s32 $0x19000;
	s22 =	simm.s32 $0x1C400  }
0x9: {  	s23 =	simm.s32 $0x2;
	s3 =	sand.u32 $0x1, s3;
	s4 =	sshll.u32 s1, $0x1  }
0xa: {  	s24 =	simm.s32 $0x0;
	[smem:$0x7FF] =	sst s2;
	s4 =	sor.u32 s3, s4  }
0xb: {  	_ =	strace $0x80000047;
	s7 =	ssub.s32 $0x2, s3;
	s8 =	smul.u32 $0xC80, s4  }
0xc: {  	s3 =	sadd.s32 $0xF42E00, s5;
	s9 =	sshrl.u32 s7, $0x1;
	s4 =	smul.u32 $0x6400, s4  }
0xd: {  	s5 =	sadd.s32 $0xA00, s5;
	s9 =	ssub.s32 s7, s9;
	s6 =	sadd.s32 s6, s8  }
0xe: {  	s7 =	sor.u32 $0xC8, s4;
	s8 =	smax.u32 s9, $0x1;
	s9 =	simm.s32 $0x3  }
.LBB2_1:
0xf: {  	[tilespmem:s2], [sflag:$0x3] =	stream.linear.gather [hbm4b:s6+s2], $0x6400, $0x38;
	[tilespmem:$0x1F400] =	vst v63  }
0x10: {  	_ =	swait.ge [sflag:s9], $0x6400  }
0x11: {  	[sflag:s9] =	ssyncset.done $0x0  }
0x12: {  	[sflag:s9] =	ssyncadd.s32 $0xFFFF9C00  }
0x13: {  	[tilespmem:s11], [sflag:$0x1] =	stream.indirect.gather [hbm4b:s3+s10], $0x80, s2, s10, $0xb8;
	[tilespmem:$0x1F400] =	vst v63  }
0x14: {  	_ = 	snop  }
0x15: {  	[tilespmem:s13], [sflag:$0x1] =	stream.indirect.gather [hbm4b:s3+s12], $0x80, s10, s12, $0xb8;
	[tilespmem:$0x1F400] =	vst v63  }
0x16: {  	_ = 	snop  }
0x17: {  	[tilespmem:s15], [sflag:$0x1] =	stream.indirect.gather [hbm4b:s3+s10], $0x80, s14, s10, $0xb8;
	[tilespmem:$0x1F400] =	vst v63  }
0x18: {  	s25 =	simm.s32 $0x0  }
0x19: {  	[tilespmem:s17], [sflag:$0x1] =	stream.indirect.gather [hbm4b:s3+s12], $0x80, s16, s12, $0xb8;
	[tilespmem:$0x1F400] =	vst v63  }
.LBB2_2:
0x1a: {  	_ =	swait.ge [sflag:s18], $0x3400  }
0x1b: {  	[sflag:s18] =	ssyncset.done $0x0  }
0x1c: {  	[sflag:s18] =	ssyncadd.s32 $0xFFFFCC00  }
0x1d: {  	_ =	swait.ge [sflag:s18], $0x3000  }
0x1e: {  	[sflag:s18] =	ssyncset.done $0x0  }
0x1f: {  	s28 =	simm.s32 $0x0;
	[sflag:s18] =	ssyncadd.s32 $0xFFFFD000  }
0x20: {  	v1 =	vld [tilespmem:s28+$0x6400]  }
0x21: {  	v2 =	vld [tilespmem:s28+$0x6410]  }
0x22: {  	s26 =	simm.s32 $0x200;
	v0 =	vld [tilespmem:s28+$0x6420]  }
.LBB2_3:
0x23: {  	p0 =	sne.s32 s26, $0x18E00;
	v3 =	vld [tilespmem:s28+$0x6430];
	_ =	sdelay $0x1  }
0x24: {  	v1 =	vmul.f32 $8.000000000e+00, v1  }
.Ltmp0:
0x25: {  	v2 =	vmul.f32 $8.000000000e+00, v2;
	(pc) =	sbr.rel @p0 .LBB2_3-.Ltmp0, $4  }
0x26: {  	s29 =	sshra.s32 s26, $0x2;
	[tilespmem:s28+$0x6400] =	vst v1;
	v0 =	vmul.f32 $8.000000000e+00, v0  }
0x27: {  	v1 =	vld [tilespmem:s29+$0x6400];
	[tilespmem:s28+$0x6410] =	vst v2;
	v3 =	vmul.f32 $8.000000000e+00, v3  }
0x28: {  	v2 =	vld [tilespmem:s29+$0x6410];
	[tilespmem:s28+$0x6420] =	vst v0  }
0x29: {  	s26 =	sadd.s32 $0x200, s26;
	v0 =	vld [tilespmem:s29+$0x6420];
	[tilespmem:s28+$0x6430] =	vst v3;
	s28 =	smov.u32 s29  }
0x2a: {  	v3 =	vld [tilespmem:s28+$0x6430];
	_ =	sdelay $0x1  }
0x2b: {  	v1 =	vmul.f32 $8.000000000e+00, v1  }
0x2c: {  	s26 =	smul.u32 $0x320, s25;
	v2 =	vmul.f32 $8.000000000e+00, v2  }
0x2d: {  	[tilespmem:s28+$0x6400] =	vst v1;
	v0 =	vmul.f32 $8.000000000e+00, v0  }
0x2e: {  	s29 =	sadd.s32 s4, s26;
	[tilespmem:s28+$0x6410] =	vst v2;
	v1 =	vmul.f32 $8.000000000e+00, v3  }
0x2f: {  	s29 =	sshll.u32 s29, $0x4;
	[tilespmem:s28+$0x6420] =	vst v0  }
0x30: {  	p0 =	seq.s32 s25, $0x0;
	[tilespmem:s28+$0x6430] =	vst v1;
	s28 =	sadd.s32 s5, s29  }
0x31: {  	[hbm4b:s28+s2] =	stream.linear.scatter [tilespmem:s11], [sflag:$0x2], $0x6400, $0x38;
	[tilespmem:$0x1F400] =	vst v63  }
0x32: {  	s28 =	simm.s32 @!p0 $0x2  }
0x33: {  	_ =	swait.ge @!p0 [sflag:s28], $0x6400  }
0x34: {  	[sflag:s28] =	ssyncset.done @!p0 $0x0  }
0x35: {  	[sflag:s28] =	ssyncadd.s32 @!p0 $0xFFFF9C00;
	s28 =	sadd.s32 $0x190, s26  }
0x36: {  	[tilespmem:s19], [sflag:$0x1] =	stream.indirect.gather [hbm4b:s3+s10], $0x80, s28, s10, $0xb8;
	[tilespmem:$0x1F400] =	vst v63  }
0x37: {  	s28 =	sadd.s32 $0x1F8, s26  }
0x38: {  	[tilespmem:s20], [sflag:$0x1] =	stream.indirect.gather [hbm4b:s3+s12], $0x80, s28, s12, $0xb8;
	[tilespmem:$0x1F400] =	vst v63  }
0x39: {  	_ =	swait.ge [sflag:s18], $0x3400  }
0x3a: {  	[sflag:s18] =	ssyncset.done $0x0  }
0x3b: {  	[sflag:s18] =	ssyncadd.s32 $0xFFFFCC00  }
0x3c: {  	_ =	swait.ge [sflag:s18], $0x3000  }
0x3d: {  	[sflag:s18] =	ssyncset.done $0x0  }
0x3e: {  	s29 =	simm.s32 $0x0;
	[sflag:s18] =	ssyncadd.s32 $0xFFFFD000  }
0x3f: {  	v0 =	vld [tilespmem:s29+$0xC800]  }
0x40: {  	v2 =	vld [tilespmem:s29+$0xC810]  }
0x41: {  	s30 =	simm.s32 $0x200;
	s28 =	sshll.u32 s25, $0x2;
	v1 =	vld [tilespmem:s29+$0xC820]  }
.LBB2_5:
0x42: {  	p1 =	sne.s32 s30, $0x18E00;
	v3 =	vld [tilespmem:s29+$0xC830];
	_ =	sdelay $0x1  }
0x43: {  	v0 =	vmul.f32 $8.000000000e+00, v0  }
.Ltmp1:
0x44: {  	v2 =	vmul.f32 $8.000000000e+00, v2;
	(pc) =	sbr.rel @p1 .LBB2_5-.Ltmp1, $4  }
0x45: {  	s31 =	sshra.s32 s30, $0x2;
	[tilespmem:s29+$0xC800] =	vst v0;
	v1 =	vmul.f32 $8.000000000e+00, v1  }
0x46: {  	v0 =	vld [tilespmem:s31+$0xC800];
	[tilespmem:s29+$0xC810] =	vst v2;
	v3 =	vmul.f32 $8.000000000e+00, v3  }
0x47: {  	v2 =	vld [tilespmem:s31+$0xC810];
	[tilespmem:s29+$0xC820] =	vst v1  }
0x48: {  	s30 =	sadd.s32 $0x200, s30;
	v1 =	vld [tilespmem:s31+$0xC820];
	[tilespmem:s29+$0xC830] =	vst v3;
	s29 =	smov.u32 s31  }
0x49: {  	v3 =	vld [tilespmem:s29+$0xC830];
	_ =	sdelay $0x1  }
0x4a: {  	v0 =	vmul.f32 $8.000000000e+00, v0  }
0x4b: {  	v2 =	vmul.f32 $8.000000000e+00, v2  }
0x4c: {  	s30 =	sadd.s32 s26, s7;
	[tilespmem:s29+$0xC800] =	vst v0;
	v0 =	vmul.f32 $8.000000000e+00, v1  }
0x4d: {  	s30 =	sshll.u32 s30, $0x4;
	[tilespmem:s29+$0xC810] =	vst v2;
	v1 =	vmul.f32 $8.000000000e+00, v3  }
0x4e: {  	s30 =	sand.u32 $0x1FFFFE80, s30;
	[tilespmem:s29+$0xC820] =	vst v0  }
0x4f: {  	[tilespmem:s29+$0xC830] =	vst v1;
	s29 =	sadd.s32 s5, s30  }
0x50: {  	[hbm4b:s29+s2] =	stream.linear.scatter [tilespmem:s15], [sflag:$0x2], $0x6400, $0x38;
	[tilespmem:$0x1F400] =	vst v63  }
0x51: {  	s29 =	simm.s32 @!p0 $0x2  }
0x52: {  	_ =	swait.ge @!p0 [sflag:s29], $0x6400  }
0x53: {  	[sflag:s29] =	ssyncset.done @!p0 $0x0  }
0x54: {  	[sflag:s29] =	ssyncadd.s32 @!p0 $0xFFFF9C00;
	s29 =	sadd.s32 $0x258, s26  }
0x55: {  	[tilespmem:s21], [sflag:$0x1] =	stream.indirect.gather [hbm4b:s3+s10], $0x80, s29, s10, $0xb8;
	[tilespmem:$0x1F400] =	vst v63  }
0x56: {  	s29 =	sadd.s32 $0x2C0, s26  }
0x57: {  	[tilespmem:s22], [sflag:$0x1] =	stream.indirect.gather [hbm4b:s3+s12], $0x80, s29, s12, $0xb8;
	[tilespmem:$0x1F400] =	vst v63  }
0x58: {  	_ =	swait.ge [sflag:s18], $0x3400  }
0x59: {  	[sflag:s18] =	ssyncset.done $0x0  }
0x5a: {  	[sflag:s18] =	ssyncadd.s32 $0xFFFFCC00  }
0x5b: {  	_ =	swait.ge [sflag:s18], $0x3000  }
0x5c: {  	[sflag:s18] =	ssyncset.done $0x0  }
0x5d: {  	s29 =	simm.s32 $0x0;
	[sflag:s18] =	ssyncadd.s32 $0xFFFFD000  }
0x5e: {  	v1 =	vld [tilespmem:s29+$0x12C00]  }
0x5f: {  	v2 =	vld [tilespmem:s29+$0x12C10]  }
0x60: {  	s30 =	simm.s32 $0x200;
	v0 =	vld [tilespmem:s29+$0x12C20]  }
.LBB2_7:
0x61: {  	p0 =	sne.s32 s30, $0x18E00;
	v3 =	vld [tilespmem:s29+$0x12C30];
	_ =	sdelay $0x1  }
0x62: {  	v1 =	vmul.f32 $8.000000000e+00, v1  }
.Ltmp2:
0x63: {  	v2 =	vmul.f32 $8.000000000e+00, v2;
	(pc) =	sbr.rel @p0 .LBB2_7-.Ltmp2, $4  }
0x64: {  	s31 =	sshra.s32 s30, $0x2;
	[tilespmem:s29+$0x12C00] =	vst v1;
	v0 =	vmul.f32 $8.000000000e+00, v0  }
0x65: {  	v1 =	vld [tilespmem:s31+$0x12C00];
	[tilespmem:s29+$0x12C10] =	vst v2;
	v3 =	vmul.f32 $8.000000000e+00, v3  }
0x66: {  	v2 =	vld [tilespmem:s31+$0x12C10];
	[tilespmem:s29+$0x12C20] =	vst v0  }
0x67: {  	s30 =	sadd.s32 $0x200, s30;
	v0 =	vld [tilespmem:s31+$0x12C20];
	[tilespmem:s29+$0x12C30] =	vst v3;
	s29 =	smov.u32 s31  }
0x68: {  	v3 =	vld [tilespmem:s29+$0x12C30]  }
0x69: {  	s30 =	sor.u32 $0x2, s28  }
0x6a: {  	s31 =	smul.u32 $0xC8, s30;
	v1 =	vmul.f32 $8.000000000e+00, v1  }
0x6b: {  	v2 =	vmul.f32 $8.000000000e+00, v2  }
0x6c: {  	s31 =	sadd.s32 s4, s31;
	[tilespmem:s29+$0x12C00] =	vst v1;
	v0 =	vmul.f32 $8.000000000e+00, v0  }
0x6d: {  	s31 =	sshll.u32 s31, $0x4;
	[tilespmem:s29+$0x12C10] =	vst v2;
	v1 =	vmul.f32 $8.000000000e+00, v3  }
0x6e: {  	s31 =	sand.u32 $0x1FFFFF00, s31;
	[tilespmem:s29+$0x12C20] =	vst v0  }
0x6f: {  	[tilespmem:s29+$0x12C30] =	vst v1;
	s29 =	sadd.s32 s5, s31  }
0x70: {  	[hbm4b:s29+s2] =	stream.linear.scatter [tilespmem:s19], [sflag:$0x2], $0x6400, $0x38;
	[tilespmem:$0x1F400] =	vst v63  }
0x71: {  	p0 =	sgt.u32 s30, $0x7D;
	_ =	swait.ge [sflag:s23], $0x6400  }
0x72: {  	s30 =	simm.s32 @!p0 $0x68;
	[sflag:s23] =	ssyncset.done $0x0  }
0x73: {  	s31 =	simm.s32 @!p0 $0x6400;
	s29 =	sadd.s32 @!p0 $0x320, s26;
	[sflag:s23] =	ssyncadd.s32 $0xFFFF9C00  }
0x74: {  	[tilespmem:s31], [sflag:$0x1] =	stream.indirect.gather @!p0 [hbm4b:s3+s30], $0x80, s29, s30, $0xb8;
	[tilespmem:$0x1F400] =	vst v63  }
0x75: {  	s29 =	sadd.s32 @!p0 $0x388, s26;
	s30 =	simm.s32 @!p0 $0x60;
	s31 =	simm.s32 @!p0 $0x9800  }
0x76: {  	[tilespmem:s31], [sflag:$0x1] =	stream.indirect.gather @!p0 [hbm4b:s3+s30], $0x80, s29, s30, $0xb8;
	[tilespmem:$0x1F400] =	vst v63  }
0x77: {  	_ =	swait.ge [sflag:s18], $0x3400  }
0x78: {  	[sflag:s18] =	ssyncset.done $0x0  }
0x79: {  	[sflag:s18] =	ssyncadd.s32 $0xFFFFCC00  }
0x7a: {  	_ =	swait.ge [sflag:s18], $0x3000  }
0x7b: {  	[sflag:s18] =	ssyncset.done $0x0  }
0x7c: {  	s29 =	simm.s32 $0x0;
	[sflag:s18] =	ssyncadd.s32 $0xFFFFD000  }
0x7d: {  	v1 =	vld [tilespmem:s29+$0x19000]  }
0x7e: {  	v2 =	vld [tilespmem:s29+$0x19010]  }
0x7f: {  	s30 =	simm.s32 $0x200;
	v0 =	vld [tilespmem:s29+$0x19020]  }
.LBB2_9:
0x80: {  	p0 =	sne.s32 s30, $0x18E00;
	v3 =	vld [tilespmem:s29+$0x19030];
	_ =	sdelay $0x1  }
0x81: {  	v1 =	vmul.f32 $8.000000000e+00, v1  }
.Ltmp3:
0x82: {  	v2 =	vmul.f32 $8.000000000e+00, v2;
	(pc) =	sbr.rel @p0 .LBB2_9-.Ltmp3, $4  }
0x83: {  	s31 =	sshra.s32 s30, $0x2;
	[tilespmem:s29+$0x19000] =	vst v1;
	v0 =	vmul.f32 $8.000000000e+00, v0  }
0x84: {  	v1 =	vld [tilespmem:s31+$0x19000];
	[tilespmem:s29+$0x19010] =	vst v2;
	v3 =	vmul.f32 $8.000000000e+00, v3  }
0x85: {  	v2 =	vld [tilespmem:s31+$0x19010];
	[tilespmem:s29+$0x19020] =	vst v0  }
0x86: {  	s30 =	sadd.s32 $0x200, s30;
	v0 =	vld [tilespmem:s31+$0x19020];
	[tilespmem:s29+$0x19030] =	vst v3;
	s29 =	smov.u32 s31  }
0x87: {  	v3 =	vld [tilespmem:s29+$0x19030]  }
0x88: {  	s28 =	sor.u32 $0x3, s28  }
0x89: {  	s30 =	smul.u32 $0xC8, s28;
	v1 =	vmul.f32 $8.000000000e+00, v1  }
0x8a: {  	v2 =	vmul.f32 $8.000000000e+00, v2  }
0x8b: {  	s30 =	sadd.s32 s4, s30;
	[tilespmem:s29+$0x19000] =	vst v1;
	v0 =	vmul.f32 $8.000000000e+00, v0  }
0x8c: {  	s30 =	sshll.u32 s30, $0x4;
	[tilespmem:s29+$0x19010] =	vst v2;
	v63 =	vmul.f32 $8.000000000e+00, v3  }
0x8d: {  	s30 =	sand.u32 $0x1FFFFF80, s30;
	[tilespmem:s29+$0x19020] =	vst v0  }
0x8e: {  	s31 =	sadd.s32 s5, s30;
	[tilespmem:s29+$0x19030] =	vst v63  }
0x8f: {  	[hbm4b:s31+s2] =	stream.linear.scatter [tilespmem:s21], [sflag:$0x2], $0x6400, $0x38;
	[tilespmem:$0x1F400] =	vst v63  }
0x90: {  	p0 =	sgt.u32 s28, $0x7D;
	_ =	swait.ge [sflag:s23], $0x6400  }
0x91: {  	s25 =	sadd.s32 $0x1, s25;
	s28 =	sadd.s32 @!p0 $0x3E8, s26;
	[sflag:s23] =	ssyncset.done $0x0  }
0x92: {  	s30 =	simm.s32 @!p0 $0xC800;
	s29 =	simm.s32 @!p0 $0x68;
	[sflag:s23] =	ssyncadd.s32 $0xFFFF9C00  }
0x93: {  	[tilespmem:s30], [sflag:$0x1] =	stream.indirect.gather @!p0 [hbm4b:s3+s29], $0x80, s28, s29, $0xb8;
	[tilespmem:$0x1F400] =	vst v63  }
0x94: {  	s26 =	sadd.s32 @!p0 $0x450, s26;
	s28 =	simm.s32 @!p0 $0x60;
	s29 =	simm.s32 @!p0 $0xFC00  }
0x95: {  	[tilespmem:s29], [sflag:$0x1] =	stream.indirect.gather @!p0 [hbm4b:s3+s28], $0x80, s26, s28, $0xb8;
	[tilespmem:$0x1F400] =	vst v63  }
0x96: {  	p0 =	sne.s32 s25, $0x20  }
.Ltmp4:
0x97: {  	_ = 	snop;
	(pc) =	sbr.rel @p0 .LBB2_2-.Ltmp4, $1  }
0x98: {  	_ =	sdelay $0x3  }
0x99: {  	s24 =	sadd.s32 $0x1, s24  }
0x9a: {  	_ =	swait.ge [sflag:s23], $0x6400;
	p0 =	sne.s32 s24, s8  }
.Ltmp5:
0x9b: {  	[sflag:s23] =	ssyncset.done $0x0;
	(pc) =	sbr.rel @p0 .LBB2_1-.Ltmp5, $4  }
0x9c: {  	[sflag:s23] =	ssyncadd.s32 $0xFFFF9C00  }
0x9d: {  	_ =	swait.ge [sflag:s23], $0x6400  }
0x9e: {  	[sflag:s23] =	ssyncset.done $0x0  }
0x9f: {  	[sflag:s23] =	ssyncadd.s32 $0xFFFF9C00  }
0xa0: {  	_ =	sfence.sel $0x180000  }
0xa1: {  	[bflag:$0x0] =	sbarrier.arrive $0xFFFF  }
0xa2: {  	p0 =	sne.s32 s1, $0x0;
	_ =	strace $0x90000047  }
0xa3: {  	s0 =	sadd.s32 @!p0 $0x100000, s0;
	[bflag:$0x2] =	sbarrier.arrive $0xFFFF  }
0xa4: {  	[sflag:s0] =	ssyncadd.tile.s32 @!p0 $0x1;
	_ =	shalt  }
.Lfunc_end2:
_tile_overlayer_lowered:
.L_overlay_start_2:
0xa5: {  	(tag) =	ssettag $0x2  }
0xa6: {  	s0 =	rddreg [dreg:$0x0];
	s2 =	stileid.u32  }
0xa7: {  	s1 =	rddreg [dreg:$0x1];
	p0 =	sne.s32 s2, $0x0  }
0xa8: {  	s3 =	rddreg [dreg:$0x2];
	[bflag:$0x3] =	sbarrier.arrive $0xFFFF;
	s2 =	simm.s32 @!p0 $0x1C03  }
0xa9: {  	[timem:s3], [sflag:s2] =	dma.local @!p0 [hbm:s0], s1  }
0xaa: {  	s0 =	simm.s32 @!p0 $0x3  }
0xab: {  	_ =	swait.ge @!p0 [sflag:s0], s1  }
0xac: {  	s1 =	ssub.s32 @!p0 $0x0, s1;
	[sflag:s0] =	ssyncset.done @!p0 $0x0  }
0xad: {  	[sflag:s0] =	ssyncadd.s32 @!p0 s1  }
0xae: {  	[bflag:$0x3] =	sbarrier.arrive $0xFFFF  }
0xaf: {  	_ =	shalt  }

// kernel: sparse-core-data-format-call.cloned.1.call-start
scs
called_computation_lowered:
.L_overlay_start_0:
0x0: {  	s2 =	sld [smem:$0x3FD9]  }
0x1: {  	s3 =	sld [smem:$0x3FFE];
	_ =	sdelay $0x1  }
0x2: {  	s1 =	srdreg.scid  }
0x3: {  	s0 =	sand.u32 $0x1, s1  }
0x4: {  	s18 =	sshll.u32 s0, $0xA;
	s2 =	sadd.s32 s3, s2  }
0x5: {  	s2 =	sadd.s32 s2, s18  }
0x6: {  	[smem:$0x3FC6] =	sst s2  }
0x7: {  	_ = 	snop  }
0x8: {  	s2 =	sld [smem:$0x3FD0];
	(tm) =	ssettm $0x1  }
0x9: {  	s19 =	sld [smem:$0x3FFB];
	_ =	sdelay $0x3  }
0xa: {  	_ =	strace s19  }
0xb: {  	s3 =	sld [smem:$0x3FFC];
	_ =	sdelay $0x3  }
0xc: {  	_ =	strace s3  }
0xd: {  	s3 =	sld [smem:$0x3FFD];
	_ =	sdelay $0x3  }
0xe: {  	_ =	strace s3  }
0xf: {  	_ =	strace $0x8FFFFFFF  }
0x10: {  	s20 =	sld [smem:$0x3FDB];
	_ =	sdelay $0x1  }
0x11: {  	s4 =	simm.s32 $_scs_section_size  }
0x12: {  	s5 =	simm.s32 $_size__tile_overlayer_lowered;
	s6 =	simm.s32 $_tile_overlayer_lowered  }
0x13: {  	s23 =	simm.s32 $0x1BFF;
	s22 =	sshll.u32 s6, $0x1;
	s3 =	sadd.s32 s4, s20  }
0x14: {  	s7 =	simm.s32 $0x0;
	s21 =	sshll.u32 s5, $0x1;
	s5 =	sadd.s32 s22, s3  }
0x15: {  	[timem:s7], [sflag:s23] =	dma.local [hbm:s5], s21  }
0x16: {  	_ =	swait.ge [sflag:s23], s21  }
0x17: {  	s4 =	ssub.s32 $0x0, s21;
	[sflag:s23] =	ssyncset.done $0x0  }
0x18: {  	[sflag:s23] =	ssyncadd.s32 s4;
	_ =	sdelay $0x1  }
0x19: {  	s24 =	simm.s32 $0x1B8B  }
0x1a: {  	_ =	swait.ge [sflag:s24], $0x1  }
0x1b: {  	[sflag:s24] =	ssyncset.done $0x0  }
0x1c: {  	s26 =	simm.s32 $0x1B8E;
	s25 =	sld [smem:$0x3FFE];
	[sflag:s24] =	ssyncadd.s32 $0xFFFFFFFF  }
0x1d: {  	s27 =	simm.s32 $execute0_lowered;
	[smem:$0x3FD2] =	sst s26  }
0x1e: {  	s5 =	sshll.u32 s27, $0x1;
	_ =	strace $0x80000049;
	[dreg:$0x1] =	wrdreg $0xFFFFFFFF  }
0x1f: {  	s28 =	simm.s32 $_size_execute0_lowered;
	s3 =	sadd.s32 s3, s5;
	[dreg:$0x0] =	wrdreg $0x0  }
0x20: {  	s5 =	sshll.u32 s28, $0x1;
	[dreg:$0x2] =	wrdreg s3  }
0x21: {  	[dreg:$0x3] =	wrdreg s5  }
0x22: {  	[dreg:$0x4] =	wrdreg $0xC0  }
0x23: {  	_ =	task [dreg:s7], $0x5FFFF  }
0x24: {  	[dreg:$0x1] =	wrdreg $0xFFFFFFFF  }
0x25: {  	[dreg:$0x0] =	wrdreg $0x60  }
0x26: {  	[dreg:$0x2] =	wrdreg s25  }
0x27: {  	[dreg:$0x3] =	wrdreg s2  }
0x28: {  	[dreg:$0x4] =	wrdreg $0x9  }
0x29: {  	_ =	task.clear_ibuf [dreg:s7], $0x5FFFF;
	_ =	strace $0x90000049  }
0x2a: {  	s29 =	simm.s32 $0x9;
	_ =	strace $0x8000004B  }
0x2b: {  	_ =	swait.ge [sflag:s29], $0x1  }
0x2c: {  	[sflag:s29] =	ssyncadd.s32 $0xFFFFFFFF  }
0x2d: {  	_ =	strace $0x9000004B  }
0x2e: {  	_ =	sfence  }
0x2f: {  	s30 =	sld [smem:$0x0];
	_ =	sdelay $0x2  }
0x30: {  	s31 =	sshll.u32 s1, $0xD;
	s1 =	sshrl.u32 s1, $0x2  }
0x31: {  	s3 =	sand.u32 $0x4000, s31;
	s1 =	sadd.s32 s1, s30  }
0x32: {  	s0 =	sor.u32 s3, s0;
	s1 =	sshll.u32 s1, $0x11  }
0x33: {  	s0 =	sor.u32 s1, s0  }
0x34: {  	s0 =	sadd.s32 $0x8F2B, s0  }
0x35: {  	[sflag:s0] =	ssyncadd.remote.s32 $0x1  }
0x36: {  	_ =	sfence.sel $0xFFFF  }
0x37: {  	[dreg:$0x0] =	wrdreg $0xFFFFFFFF;
	(pc) =	sbr.abs _section_cstart, $3  }
0x38: {  	[dreg:$0x1] =	wrdreg $0xFFFFFFFF  }
0x39: {  	_ =	task.clear_ibuf [dreg:s7], $0x2FFFF;
	_ =	strace $0x9FFFFFFF  }
0x3a: {  	(tm) =	ssettm $0x7FFFFFFF  }
0x3b: {  	_ =	shalt  }
tec
execute0_lowered:
.L_overlay_start_1:
0x0: {  	(tag) =	ssettag $0x1  }
0x1: {  	s0 =	srdreg.scid  }
0x2: {  	s1 =	sshll.u32 s0, $0x4  }
0x3: {  	s0 =	stileid.u32;
	s1 =	sand.u32 $0x10, s1  }
0x4: {  	s1 =	sor.u32 s0, s1  }
0x5: {  	s6 =	rddreg [dreg:$0x0];
	s4 =	simm.s32 $0x1;
	s2 =	sshll.u32 s1, $0x7  }
0x6: {  	s7 =	simm.s32 $0x2;
	s12 =	simm.s32 $0x0;
	s1 =	ssub.s32 $0x1000, s2  }
0x7: {  	s8 =	simm.s32 $0x8000;
	s13 =	simm.s32 $0x0;
	s3 =	sand.u32 $0xF80, s1  }
0x8: {  	s9 =	simm.s32 $0x0;
	s5 =	sshrl.u32 s1, $0xC;
	p0 =	sne.s32 s3, $0x0  }
.Ltmp0:
0x9: {  	s1 =	rddreg [dreg:$0x2];
	s4 =	simm.s32 @!p0 $0x0;
	(pc) =	sbr.rel .LBB1_1-.Ltmp0, $4  }
0xa: {  	s11 =	simm.s32 $0x0;
	s3 =	rddreg [dreg:$0x1];
	s5 =	sadd.s32 s4, s5  }
0xb: {  	_ =	strace $0x8000004A;
	s4 =	simm.s32 $0x1;
	s5 =	smul.u32 $0xC8, s5  }
0xc: {  	s6 =	sadd.s32 $0xA00, s6;
	s10 =	smov.u32 s2;
	[sflag:s4] =	ssyncpa.u1 $0x0  }
0xd: {  	p0 =	por $0x0, $0x0;
	[sflag:s7] =	ssyncpa.u1 $0x0;
	s7 =	sor.u32 $0x1, s5  }
.LBB1_4:
0xe: {  	s16 =	sshll.u32 s13, $0x3;
	s17 =	sand.u32 $0x78, s13  }
0xf: {  	s30 =	sand.u32 $0x7E00, s13;
	s12 =	sshll.u32 s12, $0xF;
	s16 =	sand.u32 $0xC00, s16  }
0x10: {  	[tilespmem:s15+$0x810 ss:$0x81] =	vst.msk $0xffff, v2;
	s31 =	sand.u32 $0x7, s13;
	s16 =	sor.u32 s17, s16;
	s17 =	sadd.s32 s3, s30  }
0x11: {  	[tilespmem:s15+$0x1020 ss:$0x81] =	vst.msk $0xffff, v0;
	s13 =	sshll.u32 s31, $0x12;
	s12 =	sadd.s32 s12, s17;
	s16 =	sshrl.u32 s16, $0x3  }
0x12: {  	[tilespmem:s15+$0x0 ss:$0x81] =	vst.msk $0xffff, v1;
	s13 =	sor.u32 $0x400, s13;
	s12 =	sadd.s32 s16, s12  }
0x13: {  	[hbm4b:s12+s13] =	stream.strided.scatter [tilespmem:s14], [sflag:$0x2], $0x2000, s8, s13, $0x20;
	[tilespmem:$0x8080] =	vst v63  }
.LBB1_5:
0x14: {  	s14 =	sadd.s32 $0x1, s9  }
0x15: {  	s12 =	sadd.s32 $0x1000, s10;
	s16 =	smov.u32 s10;
	p2 =	sgt.s32 s14, $0xC7  }
0x16: {  	s16 =	smov.u32 @p2 s12  }
0x17: {  	s14 =	simm.s32 @p2 $0x0;
	p2 =	sgt.s32 s16, $0xFFF  }
0x18: {  	s16 =	smov.u32 @p2 s2;
	p2 =	sne.s32 s11, s7  }
.Ltmp1:
0x19: {  	p1 =	slt.u32 s11, $0x2;
	(pc) =	sbr.rel @!p2 .LBB1_6-.Ltmp1, $4  }
0x1a: {  	s15 =	simm.s32 @!p1 $0x2  }
0x1b: {  	s13 =	smov.u32 s10;
	p0 =	por !p0, !p0;
	_ =	swait.ge @!p1 [sflag:s15], $0x2000  }
0x1c: {  	s12 =	smov.u32 s9;
	[sflag:s15] =	ssyncset.done @!p1 $0x0;
	s9 =	smov.u32 s14  }
0x1d: {  	s11 =	sadd.s32 $0x1, s11;
	[sflag:s15] =	ssyncadd.s32 @!p1 $0xFFFFE000;
	s10 =	smov.u32 s16  }
.LBB1_1:
0x1e: {  	p1 =	sge.u32 s11, s5  }
0x1f: {  	s14 =	sand.u32 @!p1 $0x1FFFFFF, s9  }
0x20: {  	s15 =	smulhi.u32 @!p1 $0x147AE15, s14;
	_ =	sdelay $0x1  }
0x21: {  	s15 =	smul.u32 @!p1 $0xC8, s15  }
0x22: {  	s16 =	sxor.u32 @!p1 $0xFFFFFFFF, s11;
	s17 =	smul.u32 @!p1 $0xC80, s10  }
0x23: {  	s31 =	sadd.s32 $0xFFFFFFFF, s11;
	s16 =	sshll.u32 @!p1 s16, $0xD;
	s14 =	ssub.s32 @!p1 s14, s15  }
0x24: {  	s15 =	sand.u32 @!p1 $0x2000, s16;
	s16 =	sadd.s32 @!p1 s6, s17;
	s14 =	sshll.u32 @!p1 s14, $0x4  }
0x25: {  	s17 =	simm.s32 @!p1 $0x6400;
	s14 =	sadd.s32 @!p1 s14, s16;
	s16 =	simm.s32 @!p1 $0x40  }
0x26: {  	[tilespmem:s15], [sflag:$0x1] =	stream.strided.gather @!p1 [hbm4b:s14+s16], $0x2000, s17, s16, $0x38;
	[tilespmem:$0x8080] =	vst v63  }
0x27: {  	p1 =	sge.u32 s31, s5  }
.Ltmp2:
0x28: {  	_ = 	snop;
	(pc) =	sbr.rel @p1 .LBB1_5-.Ltmp2, $1  }
0x29: {  	_ =	sdelay $0x3  }
0x2a: {  	s14 =	simm.s32 $0x1  }
0x2b: {  	_ =	swait.ge [sflag:s4], $0x2000;
	s14 =	simm.s32 @!p0 $0x0  }
0x2c: {  	[sflag:s4] =	ssyncset.done $0x0;
	s15 =	sshll.u32 s14, $0xD  }
0x2d: {  	[sflag:s4] =	ssyncadd.s32 $0xFFFFE000;
	s18 =	sor.u32 $0x20, s15  }
0x2e: {  	s14 =	smul.u32 $0x8100, s14;
	v3 =	vld [tilespmem:s18+$0x10]  }
0x2f: {  	s30 =	sand.u32 $0x1, s11;
	v2 =	vld [tilespmem:s18+$0xFFFFFFF0]  }
0x30: {  	s15 =	smul.u32 $0x8100, s30;
	s14 =	sshrl.u32 s14, $0x2;
	v0 =	vld [tilespmem:s18+$0x0]  }
0x31: {  	v1 =	vld [tilespmem:s18+$0xFFFFFFE0];
	s16 =	sor.u32 $0x4000, s14  }
0x32: {  	s31 =	sshrl.u32 s15, $0x2;
	s15 =	sadd.s32 $0x0, s16  }
0x33: {  	s17 =	simm.s32 $0x4;
	s18 =	sadd.s32 $0x40, s18;
	s14 =	sor.u32 $0x4000, s31;
	[tilespmem:s15+$0x1830 ss:$0x81] =	vst.msk $0xffff, v3  }
.LBB1_3:
0x34: {  	v3 =	vld [tilespmem:s18+$0x10];
	p1 =	sne.s32 s17, $0x1FC;
	[tilespmem:s15+$0x810 ss:$0x81] =	vst.msk $0xffff, v2;
	s19 =	smov.u32 s17;
	s17 =	sadd.s32 $0x4, s17  }
.Ltmp3:
0x35: {  	v2 =	vld [tilespmem:s18+$0xFFFFFFF0];
	[tilespmem:s15+$0x1020 ss:$0x81] =	vst.msk $0xffff, v0;
	(pc) =	sbr.rel @p1 .LBB1_3-.Ltmp3, $4  }
0x36: {  	v0 =	vld [tilespmem:s18+$0x0];
	[tilespmem:s15+$0x0 ss:$0x81] =	vst.msk $0xffff, v1  }
0x37: {  	s15 =	sshra.s32 s19, $0x2;
	v1 =	vld [tilespmem:s18+$0xFFFFFFE0]  }
0x38: {  	s15 =	sadd.s32 s15, s16  }
0x39: {  	s18 =	sadd.s32 $0x40, s18;
	[tilespmem:s15+$0x1830 ss:$0x81] =	vst.msk $0xffff, v3  }
.Ltmp4:
0x3a: {  	_ = 	snop;
	(pc) =	sbr.rel .LBB1_4-.Ltmp4, $1  }
0x3b: {  	_ =	sdelay $0x3  }
.LBB1_6:
0x3c: {  	_ =	sfence.sel $0x180000  }
0x3d: {  	s2 =	simm.s32 $0x1;
	[bflag:$0x0] =	sbarrier.arrive $0xFFFF  }
0x3e: {  	s31 =	simm.s32 $0x2;
	[sflag:s2] =	ssyncpa.u1 $0x1  }
0x3f: {  	[sflag:s31] =	ssyncpa.u1 $0x1  }
0x40: {  	p0 =	sne.s32 s0, $0x0;
	_ =	strace $0x9000004A  }
0x41: {  	s0 =	sadd.s32 @!p0 $0x100000, s1;
	[bflag:$0x2] =	sbarrier.arrive $0xFFFF  }
0x42: {  	[sflag:s0] =	ssyncadd.tile.s32 @!p0 $0x1;
	_ =	shalt  }
.Lfunc_end1:
_tile_overlayer_lowered:
.L_overlay_start_2:
0x43: {  	(tag) =	ssettag $0x2  }
0x44: {  	s0 =	rddreg [dreg:$0x0];
	s2 =	stileid.u32  }
0x45: {  	s1 =	rddreg [dreg:$0x1];
	p0 =	sne.s32 s2, $0x0  }
0x46: {  	s3 =	rddreg [dreg:$0x2];
	[bflag:$0x3] =	sbarrier.arrive $0xFFFF;
	s2 =	simm.s32 @!p0 $0x1C01  }
0x47: {  	[timem:s3], [sflag:s2] =	dma.local @!p0 [hbm:s0], s1  }
0x48: {  	s0 =	simm.s32 @!p0 $0x1  }
0x49: {  	_ =	swait.ge @!p0 [sflag:s0], s1  }
0x4a: {  	s1 =	ssub.s32 @!p0 $0x0, s1;
	[sflag:s0] =	ssyncset.done @!p0 $0x0  }
0x4b: {  	[sflag:s0] =	ssyncadd.s32 @!p0 s1  }
0x4c: {  	[bflag:$0x3] =	sbarrier.arrive $0xFFFF  }
0x4d: {  	_ =	shalt  }

</sc_bundles>
